<compile_context>
chip_gen: v7x
topology: tpu7x:2x2x1
jax: 0.10.2.dev20260603
libtpu: 0.0.44.dev20260713+nightly
codegen_flags: <defaults>
</compile_context>

<pallas_src>
import functools

import jax
import jax.numpy as jnp
from jax import lax
from jax.experimental import pallas as pl
from jax.experimental.pallas import tpu as pltpu
from jax.experimental.pallas import tpu_sc as plsc

N = 128
E = 2048
B = 256
D_IN = 784
D_H = 128
LANES = 16


def _edge_scan_sc(edge_index, w):
    mesh = plsc.VectorSubcoreMesh(
        core_axis_name="c", subcore_axis_name="s", num_cores=1
    )

    @functools.partial(
        pl.kernel,
        mesh=mesh,
        out_type=jax.ShapeDtypeStruct((N,), jnp.float32),
        scratch_types=[
            pltpu.VMEM((E,), jnp.int32),
            pltpu.VMEM((E,), jnp.int32),
            pltpu.VMEM((E,), jnp.float32),
            pltpu.VMEM((N,), jnp.float32),
            pltpu.SemaphoreType.DMA,
        ],
        compiler_params=pltpu.CompilerParams(needs_layout_passes=False),
    )
    def scan_kernel(edge_hbm, w_hbm, c_hbm, src_v, tgt_v, w_v, c_v, sem):
        cid = lax.axis_index("c")
        sid = lax.axis_index("s")

        @pl.when(jnp.logical_and(cid == 0, sid == 0))
        def _():
            cp1 = pltpu.async_copy(edge_hbm.at[0], src_v, sem)
            cp2 = pltpu.async_copy(edge_hbm.at[1], tgt_v, sem)
            cp3 = pltpu.async_copy(w_hbm, w_v, sem)
            cp1.wait()
            cp2.wait()
            cp3.wait()
            init = jnp.full((LANES,), 1.0 / N, jnp.float32)
            for j in range(N // LANES):
                c_v[pl.ds(j * LANES, LANES)] = init
            lane0 = lax.iota(jnp.int32, LANES) == 0
            dnums = lax.GatherDimensionNumbers(
                offset_dims=(), collapsed_slice_dims=(0,), start_index_map=(0,)
            )

            def bcast(vec, j):
                idx = jnp.full((LANES, 1), j, jnp.int32)
                return lax.gather(
                    vec, idx, dnums, (1,),
                    mode=lax.GatherScatterMode.PROMISE_IN_BOUNDS,
                )

            def body(i, carry):
                base = (E // LANES - 1 - i) * LANES
                s16 = src_v[pl.ds(base, LANES)]
                t16 = tgt_v[pl.ds(base, LANES)]
                w16 = w_v[pl.ds(base, LANES)]

                def edge(jj, carry2):
                    j = LANES - 1 - jj
                    t_b = bcast(t16, j)
                    s_b = bcast(s16, j)
                    w_b = bcast(w16, j)
                    ct = plsc.load_gather(c_v, [t_b])
                    plsc.addupdate_scatter(c_v, [s_b], w_b * ct, mask=lane0)
                    return carry2

                lax.fori_loop(0, LANES, edge, 0)
                return carry

            lax.fori_loop(0, E // LANES, body, 0)
            pltpu.sync_copy(c_v, c_hbm)

    return scan_kernel(edge_index, w)


NB = 32


def _tanh_terms_tc(x, W, b):

    def body(x_ref, w_ref, b_ref, t_ref):
        for k in range(NB):
            t_ref[k] = jnp.tanh(
                jnp.dot(x_ref[...], w_ref[k], preferred_element_type=jnp.float32)
                + b_ref[k][None, :]
            ).astype(jnp.bfloat16)

    return pl.pallas_call(
        body,
        grid=(N // NB,),
        in_specs=[
            pl.BlockSpec((B, D_IN), lambda i: (0, 0)),
            pl.BlockSpec((NB, D_IN, D_H), lambda i: (i, 0, 0)),
            pl.BlockSpec((NB, D_H), lambda i: (i, 0)),
        ],
        out_specs=pl.BlockSpec((NB, B, D_H), lambda i: (i, 0, 0)),
        out_shape=jax.ShapeDtypeStruct((N, B, D_H), jnp.bfloat16),
        compiler_params=pltpu.CompilerParams(
            dimension_semantics=("arbitrary",),
        ),
    )(x, W, b)


def _weighted_reduce_tc(c, T):

    def body(c_ref, t_ref, out_ref):
        i = pl.program_id(0)

        @pl.when(i == 0)
        def _():
            out_ref[...] = jnp.zeros_like(out_ref)

        acc = out_ref[...]
        for k in range(NB):
            acc = acc + c_ref[i * NB + k] * t_ref[k].astype(jnp.float32)
        out_ref[...] = acc

    return pl.pallas_call(
        body,
        grid=(N // NB,),
        in_specs=[
            pl.BlockSpec(memory_space=pltpu.SMEM),
            pl.BlockSpec((NB, B, D_H), lambda i: (i, 0, 0)),
        ],
        out_specs=pl.BlockSpec((B, D_H), lambda i: (0, 0)),
        out_shape=jax.ShapeDtypeStruct((B, D_H), jnp.float32),
        compiler_params=pltpu.CompilerParams(
            dimension_semantics=("arbitrary",),
        ),
    )(c, T)


def kernel(x, W, b, edge_index, edge_weights):
    T = _tanh_terms_tc(x, W, b)
    c = _edge_scan_sc(edge_index, edge_weights)
    return _weighted_reduce_tc(c, T)

# --- scband reference (transcript-rebuilt; emitter-appended) ---
"""Pipeline reference for scband-dynamic-neural-graph-57758720197073 (READ-ONLY COPY).

The authoritative reference and input builder live on the scoring server;
editing this copy changes nothing except your own understanding.
"""

import jax, jax.numpy as jnp
import numpy as np

N = 128
E = 2048
B = 256
D_IN = 784
D_H = 128

def setup_inputs(seed: int = 0):
    key = jax.random.key(seed)
    k1, k2, k3, k4, k5 = jax.random.split(key, 5)
    x = jax.random.normal(k1, (B, D_IN), dtype=jnp.float32)
    # Per-neuron learned parameters (stand-in for AutonomicNeuron: linear + tanh)
    W = jax.random.normal(k2, (N, D_IN, D_H), dtype=jnp.float32) * 0.02
    b = jnp.zeros((N, D_H), dtype=jnp.float32)
    # Edge topology as produced by _init_random_topology / _init_sparse_topology
    src = jax.random.randint(k3, (E,), 0, N)
    off = jax.random.randint(k4, (E,), 1, N)
    tgt = (src + off) % N  # avoid self-loops like the original generators
    edge_index = jnp.stack([src, tgt]).astype(jnp.int32)
    edge_weights = jax.random.normal(k5, (E,), dtype=jnp.float32) * 0.01
    return {"x": x, "W": W, "b": b, "edge_index": edge_index, "edge_weights": edge_weights}

def reference(x, W, b, edge_index, edge_weights):
    # hidden_states[neuron_id] = neuron(x) for every (active) neuron
    h = jnp.tanh(jnp.einsum('bi,nio->nbo', x, W) + b[:, None, :])  # [N, B, D_H]
    src = edge_index[0]
    tgt = edge_index[1]
    # Sequential edge-by-edge propagation, faithful to the python loop:
    # hidden_states[tgt] = hidden_states[tgt] + hidden_states[src] * weight
    # (order matters because src states may already have been updated)
    def step(H, sw):
        s, t, w = sw
        H = H.at[t].add(H[s] * w)
        return H, None
    H, _ = jax.lax.scan(step, h, (src, tgt, edge_weights))
    # aggregated = stack(states).mean(dim=0)
    return H.mean(axis=0)  # [B, D_H]

if __name__ == "__main__":
    import jax
    _d = setup_inputs()
    print(jax.jit(kernel)(*tuple(_d.values())))

</pallas_src>

<mosaic_0001>
#map = affine_map<(d0, d1) -> (0, 0)>
#map1 = affine_map<(d0, d1) -> (0)>
module attributes {stable_mosaic.version = 14 : i64} {
  func.func @scan_kernel(%arg0: i32, %arg1: i32, %arg2: memref<2x2048xi32, #tpu.memory_space<hbm>>, %arg3: memref<2048xf32, #tpu.memory_space<hbm>>, %arg4: memref<128xf32, #tpu.memory_space<hbm>>, %arg5: memref<2048xi32, #tpu.memory_space<vmem>>, %arg6: memref<2048xi32, #tpu.memory_space<vmem>>, %arg7: memref<2048xf32, #tpu.memory_space<vmem>>, %arg8: memref<128xf32, #tpu.memory_space<vmem>>, %arg9: memref<!tpu.dma_semaphore, #tpu.memory_space<semaphore_mem>>) attributes {dimension_semantics = [#tpu.dimension_semantics<core_parallel>, #tpu.dimension_semantics<subcore_parallel>], iteration_bounds = array<i64: 1, 16>, scalar_prefetch = 0 : i64, scratch_operands = 5 : i64, tpu.core_type = #tpu.core_type<sc_vector_subcore>, window_params = [{transform_indices = #map}, {transform_indices = #map1}, {transform_indices = #map1}]} {
    %eq3A = arith.constant 0 : i32
    %eq3A_0 = arith.cmpi eq, %arg0, %eq3A : i32
    %eq3A_1 = arith.constant 0 : i32
    %eq3A_2 = arith.cmpi eq, %arg1, %eq3A_1 : i32
    %and3A = arith.andi %eq3A_0, %eq3A_2 : i1
    %convert_element_type3A = arith.extui %and3A : i1 to i32
    %cond3A = arith.constant 0 : i32
    %cond3A_3 = arith.cmpi ne, %convert_element_type3A, %cond3A : i32
    scf.if %cond3A_3 {
      %dma_start3A = arith.constant 0 : i32
      %dma_start3A_4 = arith.constant 0 : i32
      %dma_start3A_5 = tpu.memref_slice %arg2[%dma_start3A, %dma_start3A_4] : memref<2x2048xi32, #tpu.memory_space<hbm>> -> memref<1x2048xi32, #tpu.memory_space<hbm>>
      %dma_start3A_6 = tpu.memref_squeeze %dma_start3A_5 : memref<1x2048xi32, #tpu.memory_space<hbm>> -> memref<2048xi32, #tpu.memory_space<hbm>>
      %dma_start3A_7 = arith.constant 0 : i32
      %dma_start3A_8 = tpu.memref_slice %arg2[%dma_start3A, %dma_start3A_7] : memref<2x2048xi32, #tpu.memory_space<hbm>> -> memref<1x2048xi32, #tpu.memory_space<hbm>>
      %dma_start3A_9 = tpu.memref_squeeze %dma_start3A_8 : memref<1x2048xi32, #tpu.memory_space<hbm>> -> memref<2048xi32, #tpu.memory_space<hbm>>
      tpu.enqueue_dma source(%dma_start3A_9 : memref<2048xi32, #tpu.memory_space<hbm>>) target(%arg5 : memref<2048xi32, #tpu.memory_space<vmem>>) target_semaphore(%arg9 : memref<!tpu.dma_semaphore, #tpu.memory_space<semaphore_mem>>)
      %dma_start3A_10 = arith.constant 1 : i32
      %dma_start3A_11 = arith.constant 0 : i32
      %dma_start3A_12 = tpu.memref_slice %arg2[%dma_start3A_10, %dma_start3A_11] : memref<2x2048xi32, #tpu.memory_space<hbm>> -> memref<1x2048xi32, #tpu.memory_space<hbm>>
      %dma_start3A_13 = tpu.memref_squeeze %dma_start3A_12 : memref<1x2048xi32, #tpu.memory_space<hbm>> -> memref<2048xi32, #tpu.memory_space<hbm>>
      %dma_start3A_14 = arith.constant 0 : i32
      %dma_start3A_15 = tpu.memref_slice %arg2[%dma_start3A_10, %dma_start3A_14] : memref<2x2048xi32, #tpu.memory_space<hbm>> -> memref<1x2048xi32, #tpu.memory_space<hbm>>
      %dma_start3A_16 = tpu.memref_squeeze %dma_start3A_15 : memref<1x2048xi32, #tpu.memory_space<hbm>> -> memref<2048xi32, #tpu.memory_space<hbm>>
      tpu.enqueue_dma source(%dma_start3A_16 : memref<2048xi32, #tpu.memory_space<hbm>>) target(%arg6 : memref<2048xi32, #tpu.memory_space<vmem>>) target_semaphore(%arg9 : memref<!tpu.dma_semaphore, #tpu.memory_space<semaphore_mem>>)
      tpu.enqueue_dma source(%arg3 : memref<2048xf32, #tpu.memory_space<hbm>>) target(%arg7 : memref<2048xf32, #tpu.memory_space<vmem>>) target_semaphore(%arg9 : memref<!tpu.dma_semaphore, #tpu.memory_space<semaphore_mem>>)
      %dma_wait3A = arith.constant 0 : i32
      %dma_wait3A_17 = arith.constant 0 : i32
      %dma_wait3A_18 = tpu.memref_slice %arg2[%dma_wait3A, %dma_wait3A_17] : memref<2x2048xi32, #tpu.memory_space<hbm>> -> memref<1x2048xi32, #tpu.memory_space<hbm>>
      %dma_wait3A_19 = tpu.memref_squeeze %dma_wait3A_18 : memref<1x2048xi32, #tpu.memory_space<hbm>> -> memref<2048xi32, #tpu.memory_space<hbm>>
      %dma_wait3A_20 = arith.constant 0 : i32
      %dma_wait3A_21 = tpu.memref_slice %arg2[%dma_wait3A, %dma_wait3A_20] : memref<2x2048xi32, #tpu.memory_space<hbm>> -> memref<1x2048xi32, #tpu.memory_space<hbm>>
      %dma_wait3A_22 = tpu.memref_squeeze %dma_wait3A_21 : memref<1x2048xi32, #tpu.memory_space<hbm>> -> memref<2048xi32, #tpu.memory_space<hbm>>
      tpu.wait_dma2 semaphore(%arg9 : memref<!tpu.dma_semaphore, #tpu.memory_space<semaphore_mem>>) src(%dma_wait3A_22 : memref<2048xi32, #tpu.memory_space<hbm>>) dst(%arg5 : memref<2048xi32, #tpu.memory_space<vmem>>)
      %dma_wait3A_23 = arith.constant 1 : i32
      %dma_wait3A_24 = arith.constant 0 : i32
      %dma_wait3A_25 = tpu.memref_slice %arg2[%dma_wait3A_23, %dma_wait3A_24] : memref<2x2048xi32, #tpu.memory_space<hbm>> -> memref<1x2048xi32, #tpu.memory_space<hbm>>
      %dma_wait3A_26 = tpu.memref_squeeze %dma_wait3A_25 : memref<1x2048xi32, #tpu.memory_space<hbm>> -> memref<2048xi32, #tpu.memory_space<hbm>>
      %dma_wait3A_27 = arith.constant 0 : i32
      %dma_wait3A_28 = tpu.memref_slice %arg2[%dma_wait3A_23, %dma_wait3A_27] : memref<2x2048xi32, #tpu.memory_space<hbm>> -> memref<1x2048xi32, #tpu.memory_space<hbm>>
      %dma_wait3A_29 = tpu.memref_squeeze %dma_wait3A_28 : memref<1x2048xi32, #tpu.memory_space<hbm>> -> memref<2048xi32, #tpu.memory_space<hbm>>
      tpu.wait_dma2 semaphore(%arg9 : memref<!tpu.dma_semaphore, #tpu.memory_space<semaphore_mem>>) src(%dma_wait3A_29 : memref<2048xi32, #tpu.memory_space<hbm>>) dst(%arg6 : memref<2048xi32, #tpu.memory_space<vmem>>)
      tpu.wait_dma2 semaphore(%arg9 : memref<!tpu.dma_semaphore, #tpu.memory_space<semaphore_mem>>) src(%arg3 : memref<2048xf32, #tpu.memory_space<hbm>>) dst(%arg7 : memref<2048xf32, #tpu.memory_space<vmem>>)
      %broadcast_in_dim3A = arith.constant 7.812500e-03 : f32
      %broadcast_in_dim3A_30 = vector.broadcast %broadcast_in_dim3A : f32 to vector<16xf32>
      %swap3A = arith.constant 0 : index
      %swap3A_31 = tpu.vector_load %arg8[%swap3A] {strides = array<i32>} : memref<128xf32, #tpu.memory_space<vmem>>, vector<16xf32>,
      tpu.vector_store %arg8[%swap3A], %broadcast_in_dim3A_30 {strides = array<i32>} : memref<128xf32, #tpu.memory_space<vmem>>, vector<16xf32>,
      %swap3A_32 = arith.constant 16 : index
      %swap3A_33 = tpu.vector_load %arg8[%swap3A_32] {strides = array<i32>} : memref<128xf32, #tpu.memory_space<vmem>>, vector<16xf32>,
      tpu.vector_store %arg8[%swap3A_32], %broadcast_in_dim3A_30 {strides = array<i32>} : memref<128xf32, #tpu.memory_space<vmem>>, vector<16xf32>,
      %swap3A_34 = arith.constant 32 : index
      %swap3A_35 = tpu.vector_load %arg8[%swap3A_34] {strides = array<i32>} : memref<128xf32, #tpu.memory_space<vmem>>, vector<16xf32>,
      tpu.vector_store %arg8[%swap3A_34], %broadcast_in_dim3A_30 {strides = array<i32>} : memref<128xf32, #tpu.memory_space<vmem>>, vector<16xf32>,
      %swap3A_36 = arith.constant 48 : index
      %swap3A_37 = tpu.vector_load %arg8[%swap3A_36] {strides = array<i32>} : memref<128xf32, #tpu.memory_space<vmem>>, vector<16xf32>,
      tpu.vector_store %arg8[%swap3A_36], %broadcast_in_dim3A_30 {strides = array<i32>} : memref<128xf32, #tpu.memory_space<vmem>>, vector<16xf32>,
      %swap3A_38 = arith.constant 64 : index
      %swap3A_39 = tpu.vector_load %arg8[%swap3A_38] {strides = array<i32>} : memref<128xf32, #tpu.memory_space<vmem>>, vector<16xf32>,
      tpu.vector_store %arg8[%swap3A_38], %broadcast_in_dim3A_30 {strides = array<i32>} : memref<128xf32, #tpu.memory_space<vmem>>, vector<16xf32>,
      %swap3A_40 = arith.constant 80 : index
      %swap3A_41 = tpu.vector_load %arg8[%swap3A_40] {strides = array<i32>} : memref<128xf32, #tpu.memory_space<vmem>>, vector<16xf32>,
      tpu.vector_store %arg8[%swap3A_40], %broadcast_in_dim3A_30 {strides = array<i32>} : memref<128xf32, #tpu.memory_space<vmem>>, vector<16xf32>,
      %swap3A_42 = arith.constant 96 : index
      %swap3A_43 = tpu.vector_load %arg8[%swap3A_42] {strides = array<i32>} : memref<128xf32, #tpu.memory_space<vmem>>, vector<16xf32>,
      tpu.vector_store %arg8[%swap3A_42], %broadcast_in_dim3A_30 {strides = array<i32>} : memref<128xf32, #tpu.memory_space<vmem>>, vector<16xf32>,
      %swap3A_44 = arith.constant 112 : index
      %swap3A_45 = tpu.vector_load %arg8[%swap3A_44] {strides = array<i32>} : memref<128xf32, #tpu.memory_space<vmem>>, vector<16xf32>,
      tpu.vector_store %arg8[%swap3A_44], %broadcast_in_dim3A_30 {strides = array<i32>} : memref<128xf32, #tpu.memory_space<vmem>>, vector<16xf32>,
      %iota3A = tpu.iota {dimensions = array<i32: 0>} : vector<16xi32>
      %eq3A_46 = arith.constant 0 : i32
      %eq3A_47 = vector.broadcast %eq3A_46 : i32 to vector<16xi32>
      %eq3A_48 = arith.cmpi eq, %iota3A, %eq3A_47 : vector<16xi32>
      %scan3A = arith.constant 0 : i32
      %scan3A_49 = arith.constant 0 : i32
      %scan3A_50 = arith.constant 128 : i32
      %scan3A_51 = arith.addi %scan3A_49, %scan3A_50 : i32
      %scan3A_52 = arith.constant 1 : i32
      scf.for %scan3A_54 = %scan3A_49 to %scan3A_51 step %scan3A_52  : i32 {
        %sub3A = arith.constant 127 : i32
        %sub3A_55 = arith.subi %sub3A, %scan3A_54 : i32
        %mul3A = arith.constant 16 : i32
        %mul3A_56 = arith.muli %sub3A_55, %mul3A : i32
        %get3A = arith.index_cast %mul3A_56 : i32 to index
        %get3A_57 = tpu.vector_load %arg5[%get3A] {strides = array<i32>} : memref<2048xi32, #tpu.memory_space<vmem>>, vector<16xi32>,
        %get3A_58 = arith.index_cast %mul3A_56 : i32 to index
        %get3A_59 = tpu.vector_load %arg6[%get3A_58] {strides = array<i32>} : memref<2048xi32, #tpu.memory_space<vmem>>, vector<16xi32>,
        %get3A_60 = arith.index_cast %mul3A_56 : i32 to index
        %get3A_61 = tpu.vector_load %arg7[%get3A_60] {strides = array<i32>} : memref<2048xf32, #tpu.memory_space<vmem>>, vector<16xf32>,
        %scan3A_62 = arith.constant 0 : i32
        %scan3A_63 = arith.constant 0 : i32
        %scan3A_64 = arith.constant 16 : i32
        %scan3A_65 = arith.addi %scan3A_63, %scan3A_64 : i32
        %scan3A_66 = arith.constant 1 : i32
        scf.for %scan3A_68 = %scan3A_63 to %scan3A_65 step %scan3A_66  : i32 {
          %sub3A_69 = arith.constant 15 : i32
          %sub3A_70 = arith.subi %sub3A_69, %scan3A_68 : i32
          %broadcast_in_dim3A_71 = vector.broadcast %sub3A_70 : i32 to vector<16x1xi32>
          %gather3A = vector.shape_cast %broadcast_in_dim3A_71 : vector<16x1xi32> to vector<16xi32>
          %gather3A_72 = tpu.dynamic_gather %get3A_59[%gather3A] in [0] : vector<16xi32>, vector<16xi32> -> vector<16xi32>
          %broadcast_in_dim3A_73 = vector.broadcast %sub3A_70 : i32 to vector<16x1xi32>
          %gather3A_74 = vector.shape_cast %broadcast_in_dim3A_73 : vector<16x1xi32> to vector<16xi32>
          %gather3A_75 = tpu.dynamic_gather %get3A_57[%gather3A_74] in [0] : vector<16xi32>, vector<16xi32> -> vector<16xi32>
          %broadcast_in_dim3A_76 = vector.broadcast %sub3A_70 : i32 to vector<16x1xi32>
          %gather3A_77 = vector.shape_cast %broadcast_in_dim3A_76 : vector<16x1xi32> to vector<16xi32>
          %gather3A_78 = tpu.dynamic_gather %get3A_61[%gather3A_77] in [0] : vector<16xf32>, vector<16xi32> -> vector<16xf32>
          %gather3A_79 = tpu.vector_load_idx %arg8[%gather3A_72] : memref<128xf32, #tpu.memory_space<vmem>>[vector<16xi32>], vector<16xf32>,
          %mul3A_80 = arith.mulf %gather3A_78, %gather3A_79 : vector<16xf32>
          tpu.vector_store_idx %arg8[%gather3A_75], %mul3A_80 masked %eq3A_48 {add = true} : memref<128xf32, #tpu.memory_space<vmem>>[vector<16xi32>], vector<16xf32>, vector<16xi1>
        }
        %scan3A_67 = arith.constant 16 : i32
      }
      %scan3A_53 = arith.constant 128 : i32
      "tpu.region"() ({
        %run_scoped3A = tpu.sem_alloc : memref<!tpu.dma_semaphore, #tpu.memory_space<semaphore_mem>>
        tpu.enqueue_dma source(%arg8 : memref<128xf32, #tpu.memory_space<vmem>>) target(%arg4 : memref<128xf32, #tpu.memory_space<hbm>>) target_semaphore(%run_scoped3A : memref<!tpu.dma_semaphore, #tpu.memory_space<semaphore_mem>>)
        tpu.wait_dma2 semaphore(%run_scoped3A : memref<!tpu.dma_semaphore, #tpu.memory_space<semaphore_mem>>) src(%arg8 : memref<128xf32, #tpu.memory_space<vmem>>) dst(%arg4 : memref<128xf32, #tpu.memory_space<hbm>>)
        tpu.yield
      }) : () -> ()
    } else {
    }
    return
  }
}

module attributes {stable_mosaic.version = 14 : i64} {
  func.func @body(%arg0: i32, %arg1: memref<256x784xf32, #tpu.memory_space<vmem>>, %arg2: memref<32x784x128xf32, #tpu.memory_space<vmem>>, %arg3: memref<32x128xf32, #tpu.memory_space<vmem>>, %arg4: memref<32x256x128xbf16, #tpu.memory_space<vmem>>) attributes {dimension_semantics = [#tpu.dimension_semantics<arbitrary>], iteration_bounds = array<i64: 4>, scalar_prefetch = 0 : i64, scratch_operands = 0 : i64, tpu.core_type = #tpu.core_type<tc>, window_params = [{pipeline_mode = #tpu.pipeline_mode<synchronous>, transform_indices = @transform_0, window_bounds = array<i64: 256, 784>}, {transform_indices = @transform_1, window_bounds = array<i64: 32, 784, 128>}, {transform_indices = @transform_2, window_bounds = array<i64: 32, 128>}, {transform_indices = @transform_3, window_bounds = array<i64: 32, 256, 128>}]} {
    %get3A = arith.constant 0 : index
    %get3A_0 = arith.constant 0 : index
    %get3A_1 = vector.load %arg1[%get3A, %get3A_0] : memref<256x784xf32, #tpu.memory_space<vmem>>, vector<256x784xf32>
    %get3A_2 = arith.constant 0 : index
    %get3A_3 = arith.constant 0 : index
    %get3A_4 = arith.constant 0 : index
    %get3A_5 = vector.load %arg2[%get3A_2, %get3A_3, %get3A_4] : memref<32x784x128xf32, #tpu.memory_space<vmem>>, vector<1x784x128xf32>
    %get3A_6 = vector.shape_cast %get3A_5 : vector<1x784x128xf32> to vector<784x128xf32>
    %dot_general3A = arith.constant dense<0.000000e+00> : vector<256x128xf32>
    %dot_general3A_7 = tpu.matmul %get3A_1, %get3A_6, %dot_general3A {dimension_numbers = #tpu.dot_dimension_numbers<[1], [0], [0], [1], [0, 0, 1, 1], [], []>, transpose_lhs_hint = false} : vector<256x784xf32>, vector<784x128xf32>, vector<256x128xf32> -> vector<256x128xf32>
    %get3A_8 = arith.constant 0 : index
    %get3A_9 = arith.constant 0 : index
    %get3A_10 = vector.load %arg3[%get3A_8, %get3A_9] : memref<32x128xf32, #tpu.memory_space<vmem>>, vector<1x128xf32>
    %get3A_11 = vector.shape_cast %get3A_10 : vector<1x128xf32> to vector<128xf32>
    %broadcast_in_dim3A = vector.shape_cast %get3A_11 : vector<128xf32> to vector<1x128xf32>
    %add3A = vector.broadcast %broadcast_in_dim3A : vector<1x128xf32> to vector<256x128xf32>
    %add3A_12 = arith.addf %dot_general3A_7, %add3A : vector<256x128xf32>
    %tanh3A = math.tanh %add3A_12 : vector<256x128xf32>
    %convert_element_type3A = arith.truncf %tanh3A : vector<256x128xf32> to vector<256x128xbf16>
    %swap3A = arith.constant 0 : index
    %swap3A_13 = arith.constant 0 : index
    %swap3A_14 = arith.constant 0 : index
    %swap3A_15 = vector.load %arg4[%swap3A, %swap3A_13, %swap3A_14] : memref<32x256x128xbf16, #tpu.memory_space<vmem>>, vector<1x256x128xbf16>
    %swap3A_16 = vector.shape_cast %swap3A_15 : vector<1x256x128xbf16> to vector<256x128xbf16>
    %swap3A_17 = vector.shape_cast %convert_element_type3A : vector<256x128xbf16> to vector<1x256x128xbf16>
    tpu.vector_store %arg4[%swap3A, %swap3A_13, %swap3A_14], %swap3A_17 {strides = array<i32>} : memref<32x256x128xbf16, #tpu.memory_space<vmem>>, vector<1x256x128xbf16>,
    %get3A_18 = arith.constant 0 : index
    %get3A_19 = arith.constant 0 : index
    %get3A_20 = vector.load %arg1[%get3A_18, %get3A_19] : memref<256x784xf32, #tpu.memory_space<vmem>>, vector<256x784xf32>
    %get3A_21 = arith.constant 1 : index
    %get3A_22 = arith.constant 0 : index
    %get3A_23 = arith.constant 0 : index
    %get3A_24 = vector.load %arg2[%get3A_21, %get3A_22, %get3A_23] : memref<32x784x128xf32, #tpu.memory_space<vmem>>, vector<1x784x128xf32>
    %get3A_25 = vector.shape_cast %get3A_24 : vector<1x784x128xf32> to vector<784x128xf32>
    %dot_general3A_26 = arith.constant dense<0.000000e+00> : vector<256x128xf32>
    %dot_general3A_27 = tpu.matmul %get3A_20, %get3A_25, %dot_general3A_26 {dimension_numbers = #tpu.dot_dimension_numbers<[1], [0], [0], [1], [0, 0, 1, 1], [], []>, transpose_lhs_hint = false} : vector<256x784xf32>, vector<784x128xf32>, vector<256x128xf32> -> vector<256x128xf32>
    %get3A_28 = arith.constant 1 : index
    %get3A_29 = arith.constant 0 : index
    %get3A_30 = vector.load %arg3[%get3A_28, %get3A_29] : memref<32x128xf32, #tpu.memory_space<vmem>>, vector<1x128xf32>
    %get3A_31 = vector.shape_cast %get3A_30 : vector<1x128xf32> to vector<128xf32>
    %broadcast_in_dim3A_32 = vector.shape_cast %get3A_31 : vector<128xf32> to vector<1x128xf32>
    %add3A_33 = vector.broadcast %broadcast_in_dim3A_32 : vector<1x128xf32> to vector<256x128xf32>
    %add3A_34 = arith.addf %dot_general3A_27, %add3A_33 : vector<256x128xf32>
    %tanh3A_35 = math.tanh %add3A_34 : vector<256x128xf32>
    %convert_element_type3A_36 = arith.truncf %tanh3A_35 : vector<256x128xf32> to vector<256x128xbf16>
    %swap3A_37 = arith.constant 1 : index
    %swap3A_38 = arith.constant 0 : index
    %swap3A_39 = arith.constant 0 : index
    %swap3A_40 = vector.load %arg4[%swap3A_37, %swap3A_38, %swap3A_39] : memref<32x256x128xbf16, #tpu.memory_space<vmem>>, vector<1x256x128xbf16>
    %swap3A_41 = vector.shape_cast %swap3A_40 : vector<1x256x128xbf16> to vector<256x128xbf16>
    %swap3A_42 = vector.shape_cast %convert_element_type3A_36 : vector<256x128xbf16> to vector<1x256x128xbf16>
    tpu.vector_store %arg4[%swap3A_37, %swap3A_38, %swap3A_39], %swap3A_42 {strides = array<i32>} : memref<32x256x128xbf16, #tpu.memory_space<vmem>>, vector<1x256x128xbf16>,
    %get3A_43 = arith.constant 0 : index
    %get3A_44 = arith.constant 0 : index
    %get3A_45 = vector.load %arg1[%get3A_43, %get3A_44] : memref<256x784xf32, #tpu.memory_space<vmem>>, vector<256x784xf32>
    %get3A_46 = arith.constant 2 : index
    %get3A_47 = arith.constant 0 : index
    %get3A_48 = arith.constant 0 : index
    %get3A_49 = vector.load %arg2[%get3A_46, %get3A_47, %get3A_48] : memref<32x784x128xf32, #tpu.memory_space<vmem>>, vector<1x784x128xf32>
    %get3A_50 = vector.shape_cast %get3A_49 : vector<1x784x128xf32> to vector<784x128xf32>
    %dot_general3A_51 = arith.constant dense<0.000000e+00> : vector<256x128xf32>
    %dot_general3A_52 = tpu.matmul %get3A_45, %get3A_50, %dot_general3A_51 {dimension_numbers = #tpu.dot_dimension_numbers<[1], [0], [0], [1], [0, 0, 1, 1], [], []>, transpose_lhs_hint = false} : vector<256x784xf32>, vector<784x128xf32>, vector<256x128xf32> -> vector<256x128xf32>
    %get3A_53 = arith.constant 2 : index
    %get3A_54 = arith.constant 0 : index
    %get3A_55 = vector.load %arg3[%get3A_53, %get3A_54] : memref<32x128xf32, #tpu.memory_space<vmem>>, vector<1x128xf32>
    %get3A_56 = vector.shape_cast %get3A_55 : vector<1x128xf32> to vector<128xf32>
    %broadcast_in_dim3A_57 = vector.shape_cast %get3A_56 : vector<128xf32> to vector<1x128xf32>
    %add3A_58 = vector.broadcast %broadcast_in_dim3A_57 : vector<1x128xf32> to vector<256x128xf32>
    %add3A_59 = arith.addf %dot_general3A_52, %add3A_58 : vector<256x128xf32>
    %tanh3A_60 = math.tanh %add3A_59 : vector<256x128xf32>
    %convert_element_type3A_61 = arith.truncf %tanh3A_60 : vector<256x128xf32> to vector<256x128xbf16>
    %swap3A_62 = arith.constant 2 : index
    %swap3A_63 = arith.constant 0 : index
    %swap3A_64 = arith.constant 0 : index
    %swap3A_65 = vector.load %arg4[%swap3A_62, %swap3A_63, %swap3A_64] : memref<32x256x128xbf16, #tpu.memory_space<vmem>>, vector<1x256x128xbf16>
    %swap3A_66 = vector.shape_cast %swap3A_65 : vector<1x256x128xbf16> to vector<256x128xbf16>
    %swap3A_67 = vector.shape_cast %convert_element_type3A_61 : vector<256x128xbf16> to vector<1x256x128xbf16>
    tpu.vector_store %arg4[%swap3A_62, %swap3A_63, %swap3A_64], %swap3A_67 {strides = array<i32>} : memref<32x256x128xbf16, #tpu.memory_space<vmem>>, vector<1x256x128xbf16>,
    %get3A_68 = arith.constant 0 : index
    %get3A_69 = arith.constant 0 : index
    %get3A_70 = vector.load %arg1[%get3A_68, %get3A_69] : memref<256x784xf32, #tpu.memory_space<vmem>>, vector<256x784xf32>
    %get3A_71 = arith.constant 3 : index
    %get3A_72 = arith.constant 0 : index
    %get3A_73 = arith.constant 0 : index
    %get3A_74 = vector.load %arg2[%get3A_71, %get3A_72, %get3A_73] : memref<32x784x128xf32, #tpu.memory_space<vmem>>, vector<1x784x128xf32>
    %get3A_75 = vector.shape_cast %get3A_74 : vector<1x784x128xf32> to vector<784x128xf32>
    %dot_general3A_76 = arith.constant dense<0.000000e+00> : vector<256x128xf32>
    %dot_general3A_77 = tpu.matmul %get3A_70, %get3A_75, %dot_general3A_76 {dimension_numbers = #tpu.dot_dimension_numbers<[1], [0], [0], [1], [0, 0, 1, 1], [], []>, transpose_lhs_hint = false} : vector<256x784xf32>, vector<784x128xf32>, vector<256x128xf32> -> vector<256x128xf32>
    %get3A_78 = arith.constant 3 : index
    %get3A_79 = arith.constant 0 : index
    %get3A_80 = vector.load %arg3[%get3A_78, %get3A_79] : memref<32x128xf32, #tpu.memory_space<vmem>>, vector<1x128xf32>
    %get3A_81 = vector.shape_cast %get3A_80 : vector<1x128xf32> to vector<128xf32>
    %broadcast_in_dim3A_82 = vector.shape_cast %get3A_81 : vector<128xf32> to vector<1x128xf32>
    %add3A_83 = vector.broadcast %broadcast_in_dim3A_82 : vector<1x128xf32> to vector<256x128xf32>
    %add3A_84 = arith.addf %dot_general3A_77, %add3A_83 : vector<256x128xf32>
    %tanh3A_85 = math.tanh %add3A_84 : vector<256x128xf32>
    %convert_element_type3A_86 = arith.truncf %tanh3A_85 : vector<256x128xf32> to vector<256x128xbf16>
    %swap3A_87 = arith.constant 3 : index
    %swap3A_88 = arith.constant 0 : index
    %swap3A_89 = arith.constant 0 : index
    %swap3A_90 = vector.load %arg4[%swap3A_87, %swap3A_88, %swap3A_89] : memref<32x256x128xbf16, #tpu.memory_space<vmem>>, vector<1x256x128xbf16>
    %swap3A_91 = vector.shape_cast %swap3A_90 : vector<1x256x128xbf16> to vector<256x128xbf16>
    %swap3A_92 = vector.shape_cast %convert_element_type3A_86 : vector<256x128xbf16> to vector<1x256x128xbf16>
    tpu.vector_store %arg4[%swap3A_87, %swap3A_88, %swap3A_89], %swap3A_92 {strides = array<i32>} : memref<32x256x128xbf16, #tpu.memory_space<vmem>>, vector<1x256x128xbf16>,
    %get3A_93 = arith.constant 0 : index
    %get3A_94 = arith.constant 0 : index
    %get3A_95 = vector.load %arg1[%get3A_93, %get3A_94] : memref<256x784xf32, #tpu.memory_space<vmem>>, vector<256x784xf32>
    %get3A_96 = arith.constant 4 : index
    %get3A_97 = arith.constant 0 : index
    %get3A_98 = arith.constant 0 : index
    %get3A_99 = vector.load %arg2[%get3A_96, %get3A_97, %get3A_98] : memref<32x784x128xf32, #tpu.memory_space<vmem>>, vector<1x784x128xf32>
    %get3A_100 = vector.shape_cast %get3A_99 : vector<1x784x128xf32> to vector<784x128xf32>
    %dot_general3A_101 = arith.constant dense<0.000000e+00> : vector<256x128xf32>
    %dot_general3A_102 = tpu.matmul %get3A_95, %get3A_100, %dot_general3A_101 {dimension_numbers = #tpu.dot_dimension_numbers<[1], [0], [0], [1], [0, 0, 1, 1], [], []>, transpose_lhs_hint = false} : vector<256x784xf32>, vector<784x128xf32>, vector<256x128xf32> -> vector<256x128xf32>
    %get3A_103 = arith.constant 4 : index
    %get3A_104 = arith.constant 0 : index
    %get3A_105 = vector.load %arg3[%get3A_103, %get3A_104] : memref<32x128xf32, #tpu.memory_space<vmem>>, vector<1x128xf32>
    %get3A_106 = vector.shape_cast %get3A_105 : vector<1x128xf32> to vector<128xf32>
    %broadcast_in_dim3A_107 = vector.shape_cast %get3A_106 : vector<128xf32> to vector<1x128xf32>
    %add3A_108 = vector.broadcast %broadcast_in_dim3A_107 : vector<1x128xf32> to vector<256x128xf32>
    %add3A_109 = arith.addf %dot_general3A_102, %add3A_108 : vector<256x128xf32>
    %tanh3A_110 = math.tanh %add3A_109 : vector<256x128xf32>
    %convert_element_type3A_111 = arith.truncf %tanh3A_110 : vector<256x128xf32> to vector<256x128xbf16>
    %swap3A_112 = arith.constant 4 : index
    %swap3A_113 = arith.constant 0 : index
    %swap3A_114 = arith.constant 0 : index
    %swap3A_115 = vector.load %arg4[%swap3A_112, %swap3A_113, %swap3A_114] : memref<32x256x128xbf16, #tpu.memory_space<vmem>>, vector<1x256x128xbf16>
    %swap3A_116 = vector.shape_cast %swap3A_115 : vector<1x256x128xbf16> to vector<256x128xbf16>
    %swap3A_117 = vector.shape_cast %convert_element_type3A_111 : vector<256x128xbf16> to vector<1x256x128xbf16>
    tpu.vector_store %arg4[%swap3A_112, %swap3A_113, %swap3A_114], %swap3A_117 {strides = array<i32>} : memref<32x256x128xbf16, #tpu.memory_space<vmem>>, vector<1x256x128xbf16>,
    %get3A_118 = arith.constant 0 : index
    %get3A_119 = arith.constant 0 : index
    %get3A_120 = vector.load %arg1[%get3A_118, %get3A_119] : memref<256x784xf32, #tpu.memory_space<vmem>>, vector<256x784xf32>
    %get3A_121 = arith.constant 5 : index
    %get3A_122 = arith.constant 0 : index
    %get3A_123 = arith.constant 0 : index
    %get3A_124 = vector.load %arg2[%get3A_121, %get3A_122, %get3A_123] : memref<32x784x128xf32, #tpu.memory_space<vmem>>, vector<1x784x128xf32>
    %get3A_125 = vector.shape_cast %get3A_124 : vector<1x784x128xf32> to vector<784x128xf32>
    %dot_general3A_126 = arith.constant dense<0.000000e+00> : vector<256x128xf32>
    %dot_general3A_127 = tpu.matmul %get3A_120, %get3A_125, %dot_general3A_126 {dimension_numbers = #tpu.dot_dimension_numbers<[1], [0], [0], [1], [0, 0, 1, 1], [], []>, transpose_lhs_hint = false} : vector<256x784xf32>, vector<784x128xf32>, vector<256x128xf32> -> vector<256x128xf32>
    %get3A_128 = arith.constant 5 : index
    %get3A_129 = arith.constant 0 : index
    %get3A_130 = vector.load %arg3[%get3A_128, %get3A_129] : memref<32x128xf32, #tpu.memory_space<vmem>>, vector<1x128xf32>
    %get3A_131 = vector.shape_cast %get3A_130 : vector<1x128xf32> to vector<128xf32>
    %broadcast_in_dim3A_132 = vector.shape_cast %get3A_131 : vector<128xf32> to vector<1x128xf32>
    %add3A_133 = vector.broadcast %broadcast_in_dim3A_132 : vector<1x128xf32> to vector<256x128xf32>
    %add3A_134 = arith.addf %dot_general3A_127, %add3A_133 : vector<256x128xf32>
    %tanh3A_135 = math.tanh %add3A_134 : vector<256x128xf32>
    %convert_element_type3A_136 = arith.truncf %tanh3A_135 : vector<256x128xf32> to vector<256x128xbf16>
    %swap3A_137 = arith.constant 5 : index
    %swap3A_138 = arith.constant 0 : index
    %swap3A_139 = arith.constant 0 : index
    %swap3A_140 = vector.load %arg4[%swap3A_137, %swap3A_138, %swap3A_139] : memref<32x256x128xbf16, #tpu.memory_space<vmem>>, vector<1x256x128xbf16>
    %swap3A_141 = vector.shape_cast %swap3A_140 : vector<1x256x128xbf16> to vector<256x128xbf16>
    %swap3A_142 = vector.shape_cast %convert_element_type3A_136 : vector<256x128xbf16> to vector<1x256x128xbf16>
    tpu.vector_store %arg4[%swap3A_137, %swap3A_138, %swap3A_139], %swap3A_142 {strides = array<i32>} : memref<32x256x128xbf16, #tpu.memory_space<vmem>>, vector<1x256x128xbf16>,
    %get3A_143 = arith.constant 0 : index
    %get3A_144 = arith.constant 0 : index
    %get3A_145 = vector.load %arg1[%get3A_143, %get3A_144] : memref<256x784xf32, #tpu.memory_space<vmem>>, vector<256x784xf32>
    %get3A_146 = arith.constant 6 : index
    %get3A_147 = arith.constant 0 : index
    %get3A_148 = arith.constant 0 : index
    %get3A_149 = vector.load %arg2[%get3A_146, %get3A_147, %get3A_148] : memref<32x784x128xf32, #tpu.memory_space<vmem>>, vector<1x784x128xf32>
    %get3A_150 = vector.shape_cast %get3A_149 : vector<1x784x128xf32> to vector<784x128xf32>
    %dot_general3A_151 = arith.constant dense<0.000000e+00> : vector<256x128xf32>
    %dot_general3A_152 = tpu.matmul %get3A_145, %get3A_150, %dot_general3A_151 {dimension_numbers = #tpu.dot_dimension_numbers<[1], [0], [0], [1], [0, 0, 1, 1], [], []>, transpose_lhs_hint = false} : vector<256x784xf32>, vector<784x128xf32>, vector<256x128xf32> -> vector<256x128xf32>
    %get3A_153 = arith.constant 6 : index
    %get3A_154 = arith.constant 0 : index
    %get3A_155 = vector.load %arg3[%get3A_153, %get3A_154] : memref<32x128xf32, #tpu.memory_space<vmem>>, vector<1x128xf32>
    %get3A_156 = vector.shape_cast %get3A_155 : vector<1x128xf32> to vector<128xf32>
    %broadcast_in_dim3A_157 = vector.shape_cast %get3A_156 : vector<128xf32> to vector<1x128xf32>
    %add3A_158 = vector.broadcast %broadcast_in_dim3A_157 : vector<1x128xf32> to vector<256x128xf32>
    %add3A_159 = arith.addf %dot_general3A_152, %add3A_158 : vector<256x128xf32>
    %tanh3A_160 = math.tanh %add3A_159 : vector<256x128xf32>
    %convert_element_type3A_161 = arith.truncf %tanh3A_160 : vector<256x128xf32> to vector<256x128xbf16>
    %swap3A_162 = arith.constant 6 : index
    %swap3A_163 = arith.constant 0 : index
    %swap3A_164 = arith.constant 0 : index
    %swap3A_165 = vector.load %arg4[%swap3A_162, %swap3A_163, %swap3A_164] : memref<32x256x128xbf16, #tpu.memory_space<vmem>>, vector<1x256x128xbf16>
    %swap3A_166 = vector.shape_cast %swap3A_165 : vector<1x256x128xbf16> to vector<256x128xbf16>
    %swap3A_167 = vector.shape_cast %convert_element_type3A_161 : vector<256x128xbf16> to vector<1x256x128xbf16>
    tpu.vector_store %arg4[%swap3A_162, %swap3A_163, %swap3A_164], %swap3A_167 {strides = array<i32>} : memref<32x256x128xbf16, #tpu.memory_space<vmem>>, vector<1x256x128xbf16>,
    %get3A_168 = arith.constant 0 : index
    %get3A_169 = arith.constant 0 : index
    %get3A_170 = vector.load %arg1[%get3A_168, %get3A_169] : memref<256x784xf32, #tpu.memory_space<vmem>>, vector<256x784xf32>
    %get3A_171 = arith.constant 7 : index
    %get3A_172 = arith.constant 0 : index
    %get3A_173 = arith.constant 0 : index
    %get3A_174 = vector.load %arg2[%get3A_171, %get3A_172, %get3A_173] : memref<32x784x128xf32, #tpu.memory_space<vmem>>, vector<1x784x128xf32>
    %get3A_175 = vector.shape_cast %get3A_174 : vector<1x784x128xf32> to vector<784x128xf32>
    %dot_general3A_176 = arith.constant dense<0.000000e+00> : vector<256x128xf32>
    %dot_general3A_177 = tpu.matmul %get3A_170, %get3A_175, %dot_general3A_176 {dimension_numbers = #tpu.dot_dimension_numbers<[1], [0], [0], [1], [0, 0, 1, 1], [], []>, transpose_lhs_hint = false} : vector<256x784xf32>, vector<784x128xf32>, vector<256x128xf32> -> vector<256x128xf32>
    %get3A_178 = arith.constant 7 : index
    %get3A_179 = arith.constant 0 : index
    %get3A_180 = vector.load %arg3[%get3A_178, %get3A_179] : memref<32x128xf32, #tpu.memory_space<vmem>>, vector<1x128xf32>
    %get3A_181 = vector.shape_cast %get3A_180 : vector<1x128xf32> to vector<128xf32>
    %broadcast_in_dim3A_182 = vector.shape_cast %get3A_181 : vector<128xf32> to vector<1x128xf32>
    %add3A_183 = vector.broadcast %broadcast_in_dim3A_182 : vector<1x128xf32> to vector<256x128xf32>
    %add3A_184 = arith.addf %dot_general3A_177, %add3A_183 : vector<256x128xf32>
    %tanh3A_185 = math.tanh %add3A_184 : vector<256x128xf32>
    %convert_element_type3A_186 = arith.truncf %tanh3A_185 : vector<256x128xf32> to vector<256x128xbf16>
    %swap3A_187 = arith.constant 7 : index
    %swap3A_188 = arith.constant 0 : index
    %swap3A_189 = arith.constant 0 : index
    %swap3A_190 = vector.load %arg4[%swap3A_187, %swap3A_188, %swap3A_189] : memref<32x256x128xbf16, #tpu.memory_space<vmem>>, vector<1x256x128xbf16>
    %swap3A_191 = vector.shape_cast %swap3A_190 : vector<1x256x128xbf16> to vector<256x128xbf16>
    %swap3A_192 = vector.shape_cast %convert_element_type3A_186 : vector<256x128xbf16> to vector<1x256x128xbf16>
    tpu.vector_store %arg4[%swap3A_187, %swap3A_188, %swap3A_189], %swap3A_192 {strides = array<i32>} : memref<32x256x128xbf16, #tpu.memory_space<vmem>>, vector<1x256x128xbf16>,
    %get3A_193 = arith.constant 0 : index
    %get3A_194 = arith.constant 0 : index
    %get3A_195 = vector.load %arg1[%get3A_193, %get3A_194] : memref<256x784xf32, #tpu.memory_space<vmem>>, vector<256x784xf32>
    %get3A_196 = arith.constant 8 : index
    %get3A_197 = arith.constant 0 : index
    %get3A_198 = arith.constant 0 : index
    %get3A_199 = vector.load %arg2[%get3A_196, %get3A_197, %get3A_198] : memref<32x784x128xf32, #tpu.memory_space<vmem>>, vector<1x784x128xf32>
    %get3A_200 = vector.shape_cast %get3A_199 : vector<1x784x128xf32> to vector<784x128xf32>
    %dot_general3A_201 = arith.constant dense<0.000000e+00> : vector<256x128xf32>
    %dot_general3A_202 = tpu.matmul %get3A_195, %get3A_200, %dot_general3A_201 {dimension_numbers = #tpu.dot_dimension_numbers<[1], [0], [0], [1], [0, 0, 1, 1], [], []>, transpose_lhs_hint = false} : vector<256x784xf32>, vector<784x128xf32>, vector<256x128xf32> -> vector<256x128xf32>
    %get3A_203 = arith.constant 8 : index
    %get3A_204 = arith.constant 0 : index
    %get3A_205 = vector.load %arg3[%get3A_203, %get3A_204] : memref<32x128xf32, #tpu.memory_space<vmem>>, vector<1x128xf32>
    %get3A_206 = vector.shape_cast %get3A_205 : vector<1x128xf32> to vector<128xf32>
    %broadcast_in_dim3A_207 = vector.shape_cast %get3A_206 : vector<128xf32> to vector<1x128xf32>
    %add3A_208 = vector.broadcast %broadcast_in_dim3A_207 : vector<1x128xf32> to vector<256x128xf32>
    %add3A_209 = arith.addf %dot_general3A_202, %add3A_208 : vector<256x128xf32>
    %tanh3A_210 = math.tanh %add3A_209 : vector<256x128xf32>
    %convert_element_type3A_211 = arith.truncf %tanh3A_210 : vector<256x128xf32> to vector<256x128xbf16>
    %swap3A_212 = arith.constant 8 : index
    %swap3A_213 = arith.constant 0 : index
    %swap3A_214 = arith.constant 0 : index
    %swap3A_215 = vector.load %arg4[%swap3A_212, %swap3A_213, %swap3A_214] : memref<32x256x128xbf16, #tpu.memory_space<vmem>>, vector<1x256x128xbf16>
    %swap3A_216 = vector.shape_cast %swap3A_215 : vector<1x256x128xbf16> to vector<256x128xbf16>
    %swap3A_217 = vector.shape_cast %convert_element_type3A_211 : vector<256x128xbf16> to vector<1x256x128xbf16>
    tpu.vector_store %arg4[%swap3A_212, %swap3A_213, %swap3A_214], %swap3A_217 {strides = array<i32>} : memref<32x256x128xbf16, #tpu.memory_space<vmem>>, vector<1x256x128xbf16>,
    %get3A_218 = arith.constant 0 : index
    %get3A_219 = arith.constant 0 : index
    %get3A_220 = vector.load %arg1[%get3A_218, %get3A_219] : memref<256x784xf32, #tpu.memory_space<vmem>>, vector<256x784xf32>
    %get3A_221 = arith.constant 9 : index
    %get3A_222 = arith.constant 0 : index
    %get3A_223 = arith.constant 0 : index
    %get3A_224 = vector.load %arg2[%get3A_221, %get3A_222, %get3A_223] : memref<32x784x128xf32, #tpu.memory_space<vmem>>, vector<1x784x128xf32>
    %get3A_225 = vector.shape_cast %get3A_224 : vector<1x784x128xf32> to vector<784x128xf32>
    %dot_general3A_226 = arith.constant dense<0.000000e+00> : vector<256x128xf32>
    %dot_general3A_227 = tpu.matmul %get3A_220, %get3A_225, %dot_general3A_226 {dimension_numbers = #tpu.dot_dimension_numbers<[1], [0], [0], [1], [0, 0, 1, 1], [], []>, transpose_lhs_hint = false} : vector<256x784xf32>, vector<784x128xf32>, vector<256x128xf32> -> vector<256x128xf32>
    %get3A_228 = arith.constant 9 : index
    %get3A_229 = arith.constant 0 : index
    %get3A_230 = vector.load %arg3[%get3A_228, %get3A_229] : memref<32x128xf32, #tpu.memory_space<vmem>>, vector<1x128xf32>
    %get3A_231 = vector.shape_cast %get3A_230 : vector<1x128xf32> to vector<128xf32>
    %broadcast_in_dim3A_232 = vector.shape_cast %get3A_231 : vector<128xf32> to vector<1x128xf32>
    %add3A_233 = vector.broadcast %broadcast_in_dim3A_232 : vector<1x128xf32> to vector<256x128xf32>
    %add3A_234 = arith.addf %dot_general3A_227, %add3A_233 : vector<256x128xf32>
    %tanh3A_235 = math.tanh %add3A_234 : vector<256x128xf32>
    %convert_element_type3A_236 = arith.truncf %tanh3A_235 : vector<256x128xf32> to vector<256x128xbf16>
    %swap3A_237 = arith.constant 9 : index
    %swap3A_238 = arith.constant 0 : index
    %swap3A_239 = arith.constant 0 : index
    %swap3A_240 = vector.load %arg4[%swap3A_237, %swap3A_238, %swap3A_239] : memref<32x256x128xbf16, #tpu.memory_space<vmem>>, vector<1x256x128xbf16>
    %swap3A_241 = vector.shape_cast %swap3A_240 : vector<1x256x128xbf16> to vector<256x128xbf16>
    %swap3A_242 = vector.shape_cast %convert_element_type3A_236 : vector<256x128xbf16> to vector<1x256x128xbf16>
    tpu.vector_store %arg4[%swap3A_237, %swap3A_238, %swap3A_239], %swap3A_242 {strides = array<i32>} : memref<32x256x128xbf16, #tpu.memory_space<vmem>>, vector<1x256x128xbf16>,
    %get3A_243 = arith.constant 0 : index
    %get3A_244 = arith.constant 0 : index
    %get3A_245 = vector.load %arg1[%get3A_243, %get3A_244] : memref<256x784xf32, #tpu.memory_space<vmem>>, vector<256x784xf32>
    %get3A_246 = arith.constant 10 : index
    %get3A_247 = arith.constant 0 : index
    %get3A_248 = arith.constant 0 : index
    %get3A_249 = vector.load %arg2[%get3A_246, %get3A_247, %get3A_248] : memref<32x784x128xf32, #tpu.memory_space<vmem>>, vector<1x784x128xf32>
    %get3A_250 = vector.shape_cast %get3A_249 : vector<1x784x128xf32> to vector<784x128xf32>
    %dot_general3A_251 = arith.constant dense<0.000000e+00> : vector<256x128xf32>
    %dot_general3A_252 = tpu.matmul %get3A_245, %get3A_250, %dot_general3A_251 {dimension_numbers = #tpu.dot_dimension_numbers<[1], [0], [0], [1], [0, 0, 1, 1], [], []>, transpose_lhs_hint = false} : vector<256x784xf32>, vector<784x128xf32>, vector<256x128xf32> -> vector<256x128xf32>
    %get3A_253 = arith.constant 10 : index
    %get3A_254 = arith.constant 0 : index
    %get3A_255 = vector.load %arg3[%get3A_253, %get3A_254] : memref<32x128xf32, #tpu.memory_space<vmem>>, vector<1x128xf32>
    %get3A_256 = vector.shape_cast %get3A_255 : vector<1x128xf32> to vector<128xf32>
    %broadcast_in_dim3A_257 = vector.shape_cast %get3A_256 : vector<128xf32> to vector<1x128xf32>
    %add3A_258 = vector.broadcast %broadcast_in_dim3A_257 : vector<1x128xf32> to vector<256x128xf32>
    %add3A_259 = arith.addf %dot_general3A_252, %add3A_258 : vector<256x128xf32>
    %tanh3A_260 = math.tanh %add3A_259 : vector<256x128xf32>
    %convert_element_type3A_261 = arith.truncf %tanh3A_260 : vector<256x128xf32> to vector<256x128xbf16>
    %swap3A_262 = arith.constant 10 : index
    %swap3A_263 = arith.constant 0 : index
    %swap3A_264 = arith.constant 0 : index
    %swap3A_265 = vector.load %arg4[%swap3A_262, %swap3A_263, %swap3A_264] : memref<32x256x128xbf16, #tpu.memory_space<vmem>>, vector<1x256x128xbf16>
    %swap3A_266 = vector.shape_cast %swap3A_265 : vector<1x256x128xbf16> to vector<256x128xbf16>
    %swap3A_267 = vector.shape_cast %convert_element_type3A_261 : vector<256x128xbf16> to vector<1x256x128xbf16>
    tpu.vector_store %arg4[%swap3A_262, %swap3A_263, %swap3A_264], %swap3A_267 {strides = array<i32>} : memref<32x256x128xbf16, #tpu.memory_space<vmem>>, vector<1x256x128xbf16>,
    %get3A_268 = arith.constant 0 : index
    %get3A_269 = arith.constant 0 : index
    %get3A_270 = vector.load %arg1[%get3A_268, %get3A_269] : memref<256x784xf32, #tpu.memory_space<vmem>>, vector<256x784xf32>
    %get3A_271 = arith.constant 11 : index
    %get3A_272 = arith.constant 0 : index
    %get3A_273 = arith.constant 0 : index
    %get3A_274 = vector.load %arg2[%get3A_271, %get3A_272, %get3A_273] : memref<32x784x128xf32, #tpu.memory_space<vmem>>, vector<1x784x128xf32>
    %get3A_275 = vector.shape_cast %get3A_274 : vector<1x784x128xf32> to vector<784x128xf32>
    %dot_general3A_276 = arith.constant dense<0.000000e+00> : vector<256x128xf32>
    %dot_general3A_277 = tpu.matmul %get3A_270, %get3A_275, %dot_general3A_276 {dimension_numbers = #tpu.dot_dimension_numbers<[1], [0], [0], [1], [0, 0, 1, 1], [], []>, transpose_lhs_hint = false} : vector<256x784xf32>, vector<784x128xf32>, vector<256x128xf32> -> vector<256x128xf32>
    %get3A_278 = arith.constant 11 : index
    %get3A_279 = arith.constant 0 : index
    %get3A_280 = vector.load %arg3[%get3A_278, %get3A_279] : memref<32x128xf32, #tpu.memory_space<vmem>>, vector<1x128xf32>
    %get3A_281 = vector.shape_cast %get3A_280 : vector<1x128xf32> to vector<128xf32>
    %broadcast_in_dim3A_282 = vector.shape_cast %get3A_281 : vector<128xf32> to vector<1x128xf32>
    %add3A_283 = vector.broadcast %broadcast_in_dim3A_282 : vector<1x128xf32> to vector<256x128xf32>
    %add3A_284 = arith.addf %dot_general3A_277, %add3A_283 : vector<256x128xf32>
    %tanh3A_285 = math.tanh %add3A_284 : vector<256x128xf32>
    %convert_element_type3A_286 = arith.truncf %tanh3A_285 : vector<256x128xf32> to vector<256x128xbf16>
    %swap3A_287 = arith.constant 11 : index
    %swap3A_288 = arith.constant 0 : index
    %swap3A_289 = arith.constant 0 : index
    %swap3A_290 = vector.load %arg4[%swap3A_287, %swap3A_288, %swap3A_289] : memref<32x256x128xbf16, #tpu.memory_space<vmem>>, vector<1x256x128xbf16>
    %swap3A_291 = vector.shape_cast %swap3A_290 : vector<1x256x128xbf16> to vector<256x128xbf16>
    %swap3A_292 = vector.shape_cast %convert_element_type3A_286 : vector<256x128xbf16> to vector<1x256x128xbf16>
    tpu.vector_store %arg4[%swap3A_287, %swap3A_288, %swap3A_289], %swap3A_292 {strides = array<i32>} : memref<32x256x128xbf16, #tpu.memory_space<vmem>>, vector<1x256x128xbf16>,
    %get3A_293 = arith.constant 0 : index
    %get3A_294 = arith.constant 0 : index
    %get3A_295 = vector.load %arg1[%get3A_293, %get3A_294] : memref<256x784xf32, #tpu.memory_space<vmem>>, vector<256x784xf32>
    %get3A_296 = arith.constant 12 : index
    %get3A_297 = arith.constant 0 : index
    %get3A_298 = arith.constant 0 : index
    %get3A_299 = vector.load %arg2[%get3A_296, %get3A_297, %get3A_298] : memref<32x784x128xf32, #tpu.memory_space<vmem>>, vector<1x784x128xf32>
    %get3A_300 = vector.shape_cast %get3A_299 : vector<1x784x128xf32> to vector<784x128xf32>
    %dot_general3A_301 = arith.constant dense<0.000000e+00> : vector<256x128xf32>
    %dot_general3A_302 = tpu.matmul %get3A_295, %get3A_300, %dot_general3A_301 {dimension_numbers = #tpu.dot_dimension_numbers<[1], [0], [0], [1], [0, 0, 1, 1], [], []>, transpose_lhs_hint = false} : vector<256x784xf32>, vector<784x128xf32>, vector<256x128xf32> -> vector<256x128xf32>
    %get3A_303 = arith.constant 12 : index
    %get3A_304 = arith.constant 0 : index
    %get3A_305 = vector.load %arg3[%get3A_303, %get3A_304] : memref<32x128xf32, #tpu.memory_space<vmem>>, vector<1x128xf32>
    %get3A_306 = vector.shape_cast %get3A_305 : vector<1x128xf32> to vector<128xf32>
    %broadcast_in_dim3A_307 = vector.shape_cast %get3A_306 : vector<128xf32> to vector<1x128xf32>
    %add3A_308 = vector.broadcast %broadcast_in_dim3A_307 : vector<1x128xf32> to vector<256x128xf32>
    %add3A_309 = arith.addf %dot_general3A_302, %add3A_308 : vector<256x128xf32>
    %tanh3A_310 = math.tanh %add3A_309 : vector<256x128xf32>
    %convert_element_type3A_311 = arith.truncf %tanh3A_310 : vector<256x128xf32> to vector<256x128xbf16>
    %swap3A_312 = arith.constant 12 : index
    %swap3A_313 = arith.constant 0 : index
    %swap3A_314 = arith.constant 0 : index
    %swap3A_315 = vector.load %arg4[%swap3A_312, %swap3A_313, %swap3A_314] : memref<32x256x128xbf16, #tpu.memory_space<vmem>>, vector<1x256x128xbf16>
    %swap3A_316 = vector.shape_cast %swap3A_315 : vector<1x256x128xbf16> to vector<256x128xbf16>
    %swap3A_317 = vector.shape_cast %convert_element_type3A_311 : vector<256x128xbf16> to vector<1x256x128xbf16>
    tpu.vector_store %arg4[%swap3A_312, %swap3A_313, %swap3A_314], %swap3A_317 {strides = array<i32>} : memref<32x256x128xbf16, #tpu.memory_space<vmem>>, vector<1x256x128xbf16>,
    %get3A_318 = arith.constant 0 : index
    %get3A_319 = arith.constant 0 : index
    %get3A_320 = vector.load %arg1[%get3A_318, %get3A_319] : memref<256x784xf32, #tpu.memory_space<vmem>>, vector<256x784xf32>
    %get3A_321 = arith.constant 13 : index
    %get3A_322 = arith.constant 0 : index
    %get3A_323 = arith.constant 0 : index
    %get3A_324 = vector.load %arg2[%get3A_321, %get3A_322, %get3A_323] : memref<32x784x128xf32, #tpu.memory_space<vmem>>, vector<1x784x128xf32>
    %get3A_325 = vector.shape_cast %get3A_324 : vector<1x784x128xf32> to vector<784x128xf32>
    %dot_general3A_326 = arith.constant dense<0.000000e+00> : vector<256x128xf32>
    %dot_general3A_327 = tpu.matmul %get3A_320, %get3A_325, %dot_general3A_326 {dimension_numbers = #tpu.dot_dimension_numbers<[1], [0], [0], [1], [0, 0, 1, 1], [], []>, transpose_lhs_hint = false} : vector<256x784xf32>, vector<784x128xf32>, vector<256x128xf32> -> vector<256x128xf32>
    %get3A_328 = arith.constant 13 : index
    %get3A_329 = arith.constant 0 : index
    %get3A_330 = vector.load %arg3[%get3A_328, %get3A_329] : memref<32x128xf32, #tpu.memory_space<vmem>>, vector<1x128xf32>
    %get3A_331 = vector.shape_cast %get3A_330 : vector<1x128xf32> to vector<128xf32>
    %broadcast_in_dim3A_332 = vector.shape_cast %get3A_331 : vector<128xf32> to vector<1x128xf32>
    %add3A_333 = vector.broadcast %broadcast_in_dim3A_332 : vector<1x128xf32> to vector<256x128xf32>
    %add3A_334 = arith.addf %dot_general3A_327, %add3A_333 : vector<256x128xf32>
    %tanh3A_335 = math.tanh %add3A_334 : vector<256x128xf32>
    %convert_element_type3A_336 = arith.truncf %tanh3A_335 : vector<256x128xf32> to vector<256x128xbf16>
    %swap3A_337 = arith.constant 13 : index
    %swap3A_338 = arith.constant 0 : index
    %swap3A_339 = arith.constant 0 : index
    %swap3A_340 = vector.load %arg4[%swap3A_337, %swap3A_338, %swap3A_339] : memref<32x256x128xbf16, #tpu.memory_space<vmem>>, vector<1x256x128xbf16>
    %swap3A_341 = vector.shape_cast %swap3A_340 : vector<1x256x128xbf16> to vector<256x128xbf16>
    %swap3A_342 = vector.shape_cast %convert_element_type3A_336 : vector<256x128xbf16> to vector<1x256x128xbf16>
    tpu.vector_store %arg4[%swap3A_337, %swap3A_338, %swap3A_339], %swap3A_342 {strides = array<i32>} : memref<32x256x128xbf16, #tpu.memory_space<vmem>>, vector<1x256x128xbf16>,
    %get3A_343 = arith.constant 0 : index
    %get3A_344 = arith.constant 0 : index
    %get3A_345 = vector.load %arg1[%get3A_343, %get3A_344] : memref<256x784xf32, #tpu.memory_space<vmem>>, vector<256x784xf32>
    %get3A_346 = arith.constant 14 : index
    %get3A_347 = arith.constant 0 : index
    %get3A_348 = arith.constant 0 : index
    %get3A_349 = vector.load %arg2[%get3A_346, %get3A_347, %get3A_348] : memref<32x784x128xf32, #tpu.memory_space<vmem>>, vector<1x784x128xf32>
    %get3A_350 = vector.shape_cast %get3A_349 : vector<1x784x128xf32> to vector<784x128xf32>
    %dot_general3A_351 = arith.constant dense<0.000000e+00> : vector<256x128xf32>
    %dot_general3A_352 = tpu.matmul %get3A_345, %get3A_350, %dot_general3A_351 {dimension_numbers = #tpu.dot_dimension_numbers<[1], [0], [0], [1], [0, 0, 1, 1], [], []>, transpose_lhs_hint = false} : vector<256x784xf32>, vector<784x128xf32>, vector<256x128xf32> -> vector<256x128xf32>
    %get3A_353 = arith.constant 14 : index
    %get3A_354 = arith.constant 0 : index
    %get3A_355 = vector.load %arg3[%get3A_353, %get3A_354] : memref<32x128xf32, #tpu.memory_space<vmem>>, vector<1x128xf32>
    %get3A_356 = vector.shape_cast %get3A_355 : vector<1x128xf32> to vector<128xf32>
    %broadcast_in_dim3A_357 = vector.shape_cast %get3A_356 : vector<128xf32> to vector<1x128xf32>
    %add3A_358 = vector.broadcast %broadcast_in_dim3A_357 : vector<1x128xf32> to vector<256x128xf32>
    %add3A_359 = arith.addf %dot_general3A_352, %add3A_358 : vector<256x128xf32>
    %tanh3A_360 = math.tanh %add3A_359 : vector<256x128xf32>
    %convert_element_type3A_361 = arith.truncf %tanh3A_360 : vector<256x128xf32> to vector<256x128xbf16>
    %swap3A_362 = arith.constant 14 : index
    %swap3A_363 = arith.constant 0 : index
    %swap3A_364 = arith.constant 0 : index
    %swap3A_365 = vector.load %arg4[%swap3A_362, %swap3A_363, %swap3A_364] : memref<32x256x128xbf16, #tpu.memory_space<vmem>>, vector<1x256x128xbf16>
    %swap3A_366 = vector.shape_cast %swap3A_365 : vector<1x256x128xbf16> to vector<256x128xbf16>
    %swap3A_367 = vector.shape_cast %convert_element_type3A_361 : vector<256x128xbf16> to vector<1x256x128xbf16>
    tpu.vector_store %arg4[%swap3A_362, %swap3A_363, %swap3A_364], %swap3A_367 {strides = array<i32>} : memref<32x256x128xbf16, #tpu.memory_space<vmem>>, vector<1x256x128xbf16>,
    %get3A_368 = arith.constant 0 : index
    %get3A_369 = arith.constant 0 : index
    %get3A_370 = vector.load %arg1[%get3A_368, %get3A_369] : memref<256x784xf32, #tpu.memory_space<vmem>>, vector<256x784xf32>
    %get3A_371 = arith.constant 15 : index
    %get3A_372 = arith.constant 0 : index
    %get3A_373 = arith.constant 0 : index
    %get3A_374 = vector.load %arg2[%get3A_371, %get3A_372, %get3A_373] : memref<32x784x128xf32, #tpu.memory_space<vmem>>, vector<1x784x128xf32>
    %get3A_375 = vector.shape_cast %get3A_374 : vector<1x784x128xf32> to vector<784x128xf32>
    %dot_general3A_376 = arith.constant dense<0.000000e+00> : vector<256x128xf32>
    %dot_general3A_377 = tpu.matmul %get3A_370, %get3A_375, %dot_general3A_376 {dimension_numbers = #tpu.dot_dimension_numbers<[1], [0], [0], [1], [0, 0, 1, 1], [], []>, transpose_lhs_hint = false} : vector<256x784xf32>, vector<784x128xf32>, vector<256x128xf32> -> vector<256x128xf32>
    %get3A_378 = arith.constant 15 : index
    %get3A_379 = arith.constant 0 : index
    %get3A_380 = vector.load %arg3[%get3A_378, %get3A_379] : memref<32x128xf32, #tpu.memory_space<vmem>>, vector<1x128xf32>
    %get3A_381 = vector.shape_cast %get3A_380 : vector<1x128xf32> to vector<128xf32>
    %broadcast_in_dim3A_382 = vector.shape_cast %get3A_381 : vector<128xf32> to vector<1x128xf32>
    %add3A_383 = vector.broadcast %broadcast_in_dim3A_382 : vector<1x128xf32> to vector<256x128xf32>
    %add3A_384 = arith.addf %dot_general3A_377, %add3A_383 : vector<256x128xf32>
    %tanh3A_385 = math.tanh %add3A_384 : vector<256x128xf32>
    %convert_element_type3A_386 = arith.truncf %tanh3A_385 : vector<256x128xf32> to vector<256x128xbf16>
    %swap3A_387 = arith.constant 15 : index
    %swap3A_388 = arith.constant 0 : index
    %swap3A_389 = arith.constant 0 : index
    %swap3A_390 = vector.load %arg4[%swap3A_387, %swap3A_388, %swap3A_389] : memref<32x256x128xbf16, #tpu.memory_space<vmem>>, vector<1x256x128xbf16>
    %swap3A_391 = vector.shape_cast %swap3A_390 : vector<1x256x128xbf16> to vector<256x128xbf16>
    %swap3A_392 = vector.shape_cast %convert_element_type3A_386 : vector<256x128xbf16> to vector<1x256x128xbf16>
    tpu.vector_store %arg4[%swap3A_387, %swap3A_388, %swap3A_389], %swap3A_392 {strides = array<i32>} : memref<32x256x128xbf16, #tpu.memory_space<vmem>>, vector<1x256x128xbf16>,
    %get3A_393 = arith.constant 0 : index
    %get3A_394 = arith.constant 0 : index
    %get3A_395 = vector.load %arg1[%get3A_393, %get3A_394] : memref<256x784xf32, #tpu.memory_space<vmem>>, vector<256x784xf32>
    %get3A_396 = arith.constant 16 : index
    %get3A_397 = arith.constant 0 : index
    %get3A_398 = arith.constant 0 : index
    %get3A_399 = vector.load %arg2[%get3A_396, %get3A_397, %get3A_398] : memref<32x784x128xf32, #tpu.memory_space<vmem>>, vector<1x784x128xf32>
    %get3A_400 = vector.shape_cast %get3A_399 : vector<1x784x128xf32> to vector<784x128xf32>
    %dot_general3A_401 = arith.constant dense<0.000000e+00> : vector<256x128xf32>
    %dot_general3A_402 = tpu.matmul %get3A_395, %get3A_400, %dot_general3A_401 {dimension_numbers = #tpu.dot_dimension_numbers<[1], [0], [0], [1], [0, 0, 1, 1], [], []>, transpose_lhs_hint = false} : vector<256x784xf32>, vector<784x128xf32>, vector<256x128xf32> -> vector<256x128xf32>
    %get3A_403 = arith.constant 16 : index
    %get3A_404 = arith.constant 0 : index
    %get3A_405 = vector.load %arg3[%get3A_403, %get3A_404] : memref<32x128xf32, #tpu.memory_space<vmem>>, vector<1x128xf32>
    %get3A_406 = vector.shape_cast %get3A_405 : vector<1x128xf32> to vector<128xf32>
    %broadcast_in_dim3A_407 = vector.shape_cast %get3A_406 : vector<128xf32> to vector<1x128xf32>
    %add3A_408 = vector.broadcast %broadcast_in_dim3A_407 : vector<1x128xf32> to vector<256x128xf32>
    %add3A_409 = arith.addf %dot_general3A_402, %add3A_408 : vector<256x128xf32>
    %tanh3A_410 = math.tanh %add3A_409 : vector<256x128xf32>
    %convert_element_type3A_411 = arith.truncf %tanh3A_410 : vector<256x128xf32> to vector<256x128xbf16>
    %swap3A_412 = arith.constant 16 : index
    %swap3A_413 = arith.constant 0 : index
    %swap3A_414 = arith.constant 0 : index
    %swap3A_415 = vector.load %arg4[%swap3A_412, %swap3A_413, %swap3A_414] : memref<32x256x128xbf16, #tpu.memory_space<vmem>>, vector<1x256x128xbf16>
    %swap3A_416 = vector.shape_cast %swap3A_415 : vector<1x256x128xbf16> to vector<256x128xbf16>
    %swap3A_417 = vector.shape_cast %convert_element_type3A_411 : vector<256x128xbf16> to vector<1x256x128xbf16>
    tpu.vector_store %arg4[%swap3A_412, %swap3A_413, %swap3A_414], %swap3A_417 {strides = array<i32>} : memref<32x256x128xbf16, #tpu.memory_space<vmem>>, vector<1x256x128xbf16>,
    %get3A_418 = arith.constant 0 : index
    %get3A_419 = arith.constant 0 : index
    %get3A_420 = vector.load %arg1[%get3A_418, %get3A_419] : memref<256x784xf32, #tpu.memory_space<vmem>>, vector<256x784xf32>
    %get3A_421 = arith.constant 17 : index
    %get3A_422 = arith.constant 0 : index
    %get3A_423 = arith.constant 0 : index
    %get3A_424 = vector.load %arg2[%get3A_421, %get3A_422, %get3A_423] : memref<32x784x128xf32, #tpu.memory_space<vmem>>, vector<1x784x128xf32>
    %get3A_425 = vector.shape_cast %get3A_424 : vector<1x784x128xf32> to vector<784x128xf32>
    %dot_general3A_426 = arith.constant dense<0.000000e+00> : vector<256x128xf32>
    %dot_general3A_427 = tpu.matmul %get3A_420, %get3A_425, %dot_general3A_426 {dimension_numbers = #tpu.dot_dimension_numbers<[1], [0], [0], [1], [0, 0, 1, 1], [], []>, transpose_lhs_hint = false} : vector<256x784xf32>, vector<784x128xf32>, vector<256x128xf32> -> vector<256x128xf32>
    %get3A_428 = arith.constant 17 : index
    %get3A_429 = arith.constant 0 : index
    %get3A_430 = vector.load %arg3[%get3A_428, %get3A_429] : memref<32x128xf32, #tpu.memory_space<vmem>>, vector<1x128xf32>
    %get3A_431 = vector.shape_cast %get3A_430 : vector<1x128xf32> to vector<128xf32>
    %broadcast_in_dim3A_432 = vector.shape_cast %get3A_431 : vector<128xf32> to vector<1x128xf32>
    %add3A_433 = vector.broadcast %broadcast_in_dim3A_432 : vector<1x128xf32> to vector<256x128xf32>
    %add3A_434 = arith.addf %dot_general3A_427, %add3A_433 : vector<256x128xf32>
    %tanh3A_435 = math.tanh %add3A_434 : vector<256x128xf32>
    %convert_element_type3A_436 = arith.truncf %tanh3A_435 : vector<256x128xf32> to vector<256x128xbf16>
    %swap3A_437 = arith.constant 17 : index
    %swap3A_438 = arith.constant 0 : index
    %swap3A_439 = arith.constant 0 : index
    %swap3A_440 = vector.load %arg4[%swap3A_437, %swap3A_438, %swap3A_439] : memref<32x256x128xbf16, #tpu.memory_space<vmem>>, vector<1x256x128xbf16>
    %swap3A_441 = vector.shape_cast %swap3A_440 : vector<1x256x128xbf16> to vector<256x128xbf16>
    %swap3A_442 = vector.shape_cast %convert_element_type3A_436 : vector<256x128xbf16> to vector<1x256x128xbf16>
    tpu.vector_store %arg4[%swap3A_437, %swap3A_438, %swap3A_439], %swap3A_442 {strides = array<i32>} : memref<32x256x128xbf16, #tpu.memory_space<vmem>>, vector<1x256x128xbf16>,
    %get3A_443 = arith.constant 0 : index
    %get3A_444 = arith.constant 0 : index
    %get3A_445 = vector.load %arg1[%get3A_443, %get3A_444] : memref<256x784xf32, #tpu.memory_space<vmem>>, vector<256x784xf32>
    %get3A_446 = arith.constant 18 : index
    %get3A_447 = arith.constant 0 : index
    %get3A_448 = arith.constant 0 : index
    %get3A_449 = vector.load %arg2[%get3A_446, %get3A_447, %get3A_448] : memref<32x784x128xf32, #tpu.memory_space<vmem>>, vector<1x784x128xf32>
    %get3A_450 = vector.shape_cast %get3A_449 : vector<1x784x128xf32> to vector<784x128xf32>
    %dot_general3A_451 = arith.constant dense<0.000000e+00> : vector<256x128xf32>
    %dot_general3A_452 = tpu.matmul %get3A_445, %get3A_450, %dot_general3A_451 {dimension_numbers = #tpu.dot_dimension_numbers<[1], [0], [0], [1], [0, 0, 1, 1], [], []>, transpose_lhs_hint = false} : vector<256x784xf32>, vector<784x128xf32>, vector<256x128xf32> -> vector<256x128xf32>
    %get3A_453 = arith.constant 18 : index
    %get3A_454 = arith.constant 0 : index
    %get3A_455 = vector.load %arg3[%get3A_453, %get3A_454] : memref<32x128xf32, #tpu.memory_space<vmem>>, vector<1x128xf32>
    %get3A_456 = vector.shape_cast %get3A_455 : vector<1x128xf32> to vector<128xf32>
    %broadcast_in_dim3A_457 = vector.shape_cast %get3A_456 : vector<128xf32> to vector<1x128xf32>
    %add3A_458 = vector.broadcast %broadcast_in_dim3A_457 : vector<1x128xf32> to vector<256x128xf32>
    %add3A_459 = arith.addf %dot_general3A_452, %add3A_458 : vector<256x128xf32>
    %tanh3A_460 = math.tanh %add3A_459 : vector<256x128xf32>
    %convert_element_type3A_461 = arith.truncf %tanh3A_460 : vector<256x128xf32> to vector<256x128xbf16>
    %swap3A_462 = arith.constant 18 : index
    %swap3A_463 = arith.constant 0 : index
    %swap3A_464 = arith.constant 0 : index
    %swap3A_465 = vector.load %arg4[%swap3A_462, %swap3A_463, %swap3A_464] : memref<32x256x128xbf16, #tpu.memory_space<vmem>>, vector<1x256x128xbf16>
    %swap3A_466 = vector.shape_cast %swap3A_465 : vector<1x256x128xbf16> to vector<256x128xbf16>
    %swap3A_467 = vector.shape_cast %convert_element_type3A_461 : vector<256x128xbf16> to vector<1x256x128xbf16>
    tpu.vector_store %arg4[%swap3A_462, %swap3A_463, %swap3A_464], %swap3A_467 {strides = array<i32>} : memref<32x256x128xbf16, #tpu.memory_space<vmem>>, vector<1x256x128xbf16>,
    %get3A_468 = arith.constant 0 : index
    %get3A_469 = arith.constant 0 : index
    %get3A_470 = vector.load %arg1[%get3A_468, %get3A_469] : memref<256x784xf32, #tpu.memory_space<vmem>>, vector<256x784xf32>
    %get3A_471 = arith.constant 19 : index
    %get3A_472 = arith.constant 0 : index
    %get3A_473 = arith.constant 0 : index
    %get3A_474 = vector.load %arg2[%get3A_471, %get3A_472, %get3A_473] : memref<32x784x128xf32, #tpu.memory_space<vmem>>, vector<1x784x128xf32>
    %get3A_475 = vector.shape_cast %get3A_474 : vector<1x784x128xf32> to vector<784x128xf32>
    %dot_general3A_476 = arith.constant dense<0.000000e+00> : vector<256x128xf32>
    %dot_general3A_477 = tpu.matmul %get3A_470, %get3A_475, %dot_general3A_476 {dimension_numbers = #tpu.dot_dimension_numbers<[1], [0], [0], [1], [0, 0, 1, 1], [], []>, transpose_lhs_hint = false} : vector<256x784xf32>, vector<784x128xf32>, vector<256x128xf32> -> vector<256x128xf32>
    %get3A_478 = arith.constant 19 : index
    %get3A_479 = arith.constant 0 : index
    %get3A_480 = vector.load %arg3[%get3A_478, %get3A_479] : memref<32x128xf32, #tpu.memory_space<vmem>>, vector<1x128xf32>
    %get3A_481 = vector.shape_cast %get3A_480 : vector<1x128xf32> to vector<128xf32>
    %broadcast_in_dim3A_482 = vector.shape_cast %get3A_481 : vector<128xf32> to vector<1x128xf32>
    %add3A_483 = vector.broadcast %broadcast_in_dim3A_482 : vector<1x128xf32> to vector<256x128xf32>
    %add3A_484 = arith.addf %dot_general3A_477, %add3A_483 : vector<256x128xf32>
    %tanh3A_485 = math.tanh %add3A_484 : vector<256x128xf32>
    %convert_element_type3A_486 = arith.truncf %tanh3A_485 : vector<256x128xf32> to vector<256x128xbf16>
    %swap3A_487 = arith.constant 19 : index
    %swap3A_488 = arith.constant 0 : index
    %swap3A_489 = arith.constant 0 : index
    %swap3A_490 = vector.load %arg4[%swap3A_487, %swap3A_488, %swap3A_489] : memref<32x256x128xbf16, #tpu.memory_space<vmem>>, vector<1x256x128xbf16>
    %swap3A_491 = vector.shape_cast %swap3A_490 : vector<1x256x128xbf16> to vector<256x128xbf16>
    %swap3A_492 = vector.shape_cast %convert_element_type3A_486 : vector<256x128xbf16> to vector<1x256x128xbf16>
    tpu.vector_store %arg4[%swap3A_487, %swap3A_488, %swap3A_489], %swap3A_492 {strides = array<i32>} : memref<32x256x128xbf16, #tpu.memory_space<vmem>>, vector<1x256x128xbf16>,
    %get3A_493 = arith.constant 0 : index
    %get3A_494 = arith.constant 0 : index
    %get3A_495 = vector.load %arg1[%get3A_493, %get3A_494] : memref<256x784xf32, #tpu.memory_space<vmem>>, vector<256x784xf32>
    %get3A_496 = arith.constant 20 : index
    %get3A_497 = arith.constant 0 : index
    %get3A_498 = arith.constant 0 : index
    %get3A_499 = vector.load %arg2[%get3A_496, %get3A_497, %get3A_498] : memref<32x784x128xf32, #tpu.memory_space<vmem>>, vector<1x784x128xf32>
    %get3A_500 = vector.shape_cast %get3A_499 : vector<1x784x128xf32> to vector<784x128xf32>
    %dot_general3A_501 = arith.constant dense<0.000000e+00> : vector<256x128xf32>
    %dot_general3A_502 = tpu.matmul %get3A_495, %get3A_500, %dot_general3A_501 {dimension_numbers = #tpu.dot_dimension_numbers<[1], [0], [0], [1], [0, 0, 1, 1], [], []>, transpose_lhs_hint = false} : vector<256x784xf32>, vector<784x128xf32>, vector<256x128xf32> -> vector<256x128xf32>
    %get3A_503 = arith.constant 20 : index
    %get3A_504 = arith.constant 0 : index
    %get3A_505 = vector.load %arg3[%get3A_503, %get3A_504] : memref<32x128xf32, #tpu.memory_space<vmem>>, vector<1x128xf32>
    %get3A_506 = vector.shape_cast %get3A_505 : vector<1x128xf32> to vector<128xf32>
    %broadcast_in_dim3A_507 = vector.shape_cast %get3A_506 : vector<128xf32> to vector<1x128xf32>
    %add3A_508 = vector.broadcast %broadcast_in_dim3A_507 : vector<1x128xf32> to vector<256x128xf32>
    %add3A_509 = arith.addf %dot_general3A_502, %add3A_508 : vector<256x128xf32>
    %tanh3A_510 = math.tanh %add3A_509 : vector<256x128xf32>
    %convert_element_type3A_511 = arith.truncf %tanh3A_510 : vector<256x128xf32> to vector<256x128xbf16>
    %swap3A_512 = arith.constant 20 : index
    %swap3A_513 = arith.constant 0 : index
    %swap3A_514 = arith.constant 0 : index
    %swap3A_515 = vector.load %arg4[%swap3A_512, %swap3A_513, %swap3A_514] : memref<32x256x128xbf16, #tpu.memory_space<vmem>>, vector<1x256x128xbf16>
    %swap3A_516 = vector.shape_cast %swap3A_515 : vector<1x256x128xbf16> to vector<256x128xbf16>
    %swap3A_517 = vector.shape_cast %convert_element_type3A_511 : vector<256x128xbf16> to vector<1x256x128xbf16>
    tpu.vector_store %arg4[%swap3A_512, %swap3A_513, %swap3A_514], %swap3A_517 {strides = array<i32>} : memref<32x256x128xbf16, #tpu.memory_space<vmem>>, vector<1x256x128xbf16>,
    %get3A_518 = arith.constant 0 : index
    %get3A_519 = arith.constant 0 : index
    %get3A_520 = vector.load %arg1[%get3A_518, %get3A_519] : memref<256x784xf32, #tpu.memory_space<vmem>>, vector<256x784xf32>
    %get3A_521 = arith.constant 21 : index
    %get3A_522 = arith.constant 0 : index
    %get3A_523 = arith.constant 0 : index
    %get3A_524 = vector.load %arg2[%get3A_521, %get3A_522, %get3A_523] : memref<32x784x128xf32, #tpu.memory_space<vmem>>, vector<1x784x128xf32>
    %get3A_525 = vector.shape_cast %get3A_524 : vector<1x784x128xf32> to vector<784x128xf32>
    %dot_general3A_526 = arith.constant dense<0.000000e+00> : vector<256x128xf32>
    %dot_general3A_527 = tpu.matmul %get3A_520, %get3A_525, %dot_general3A_526 {dimension_numbers = #tpu.dot_dimension_numbers<[1], [0], [0], [1], [0, 0, 1, 1], [], []>, transpose_lhs_hint = false} : vector<256x784xf32>, vector<784x128xf32>, vector<256x128xf32> -> vector<256x128xf32>
    %get3A_528 = arith.constant 21 : index
    %get3A_529 = arith.constant 0 : index
    %get3A_530 = vector.load %arg3[%get3A_528, %get3A_529] : memref<32x128xf32, #tpu.memory_space<vmem>>, vector<1x128xf32>
    %get3A_531 = vector.shape_cast %get3A_530 : vector<1x128xf32> to vector<128xf32>
    %broadcast_in_dim3A_532 = vector.shape_cast %get3A_531 : vector<128xf32> to vector<1x128xf32>
    %add3A_533 = vector.broadcast %broadcast_in_dim3A_532 : vector<1x128xf32> to vector<256x128xf32>
    %add3A_534 = arith.addf %dot_general3A_527, %add3A_533 : vector<256x128xf32>
    %tanh3A_535 = math.tanh %add3A_534 : vector<256x128xf32>
    %convert_element_type3A_536 = arith.truncf %tanh3A_535 : vector<256x128xf32> to vector<256x128xbf16>
    %swap3A_537 = arith.constant 21 : index
    %swap3A_538 = arith.constant 0 : index
    %swap3A_539 = arith.constant 0 : index
    %swap3A_540 = vector.load %arg4[%swap3A_537, %swap3A_538, %swap3A_539] : memref<32x256x128xbf16, #tpu.memory_space<vmem>>, vector<1x256x128xbf16>
    %swap3A_541 = vector.shape_cast %swap3A_540 : vector<1x256x128xbf16> to vector<256x128xbf16>
    %swap3A_542 = vector.shape_cast %convert_element_type3A_536 : vector<256x128xbf16> to vector<1x256x128xbf16>
    tpu.vector_store %arg4[%swap3A_537, %swap3A_538, %swap3A_539], %swap3A_542 {strides = array<i32>} : memref<32x256x128xbf16, #tpu.memory_space<vmem>>, vector<1x256x128xbf16>,
    %get3A_543 = arith.constant 0 : index
    %get3A_544 = arith.constant 0 : index
    %get3A_545 = vector.load %arg1[%get3A_543, %get3A_544] : memref<256x784xf32, #tpu.memory_space<vmem>>, vector<256x784xf32>
    %get3A_546 = arith.constant 22 : index
    %get3A_547 = arith.constant 0 : index
    %get3A_548 = arith.constant 0 : index
    %get3A_549 = vector.load %arg2[%get3A_546, %get3A_547, %get3A_548] : memref<32x784x128xf32, #tpu.memory_space<vmem>>, vector<1x784x128xf32>
    %get3A_550 = vector.shape_cast %get3A_549 : vector<1x784x128xf32> to vector<784x128xf32>
    %dot_general3A_551 = arith.constant dense<0.000000e+00> : vector<256x128xf32>
    %dot_general3A_552 = tpu.matmul %get3A_545, %get3A_550, %dot_general3A_551 {dimension_numbers = #tpu.dot_dimension_numbers<[1], [0], [0], [1], [0, 0, 1, 1], [], []>, transpose_lhs_hint = false} : vector<256x784xf32>, vector<784x128xf32>, vector<256x128xf32> -> vector<256x128xf32>
    %get3A_553 = arith.constant 22 : index
    %get3A_554 = arith.constant 0 : index
    %get3A_555 = vector.load %arg3[%get3A_553, %get3A_554] : memref<32x128xf32, #tpu.memory_space<vmem>>, vector<1x128xf32>
    %get3A_556 = vector.shape_cast %get3A_555 : vector<1x128xf32> to vector<128xf32>
    %broadcast_in_dim3A_557 = vector.shape_cast %get3A_556 : vector<128xf32> to vector<1x128xf32>
    %add3A_558 = vector.broadcast %broadcast_in_dim3A_557 : vector<1x128xf32> to vector<256x128xf32>
    %add3A_559 = arith.addf %dot_general3A_552, %add3A_558 : vector<256x128xf32>
    %tanh3A_560 = math.tanh %add3A_559 : vector<256x128xf32>
    %convert_element_type3A_561 = arith.truncf %tanh3A_560 : vector<256x128xf32> to vector<256x128xbf16>
    %swap3A_562 = arith.constant 22 : index
    %swap3A_563 = arith.constant 0 : index
    %swap3A_564 = arith.constant 0 : index
    %swap3A_565 = vector.load %arg4[%swap3A_562, %swap3A_563, %swap3A_564] : memref<32x256x128xbf16, #tpu.memory_space<vmem>>, vector<1x256x128xbf16>
    %swap3A_566 = vector.shape_cast %swap3A_565 : vector<1x256x128xbf16> to vector<256x128xbf16>
    %swap3A_567 = vector.shape_cast %convert_element_type3A_561 : vector<256x128xbf16> to vector<1x256x128xbf16>
    tpu.vector_store %arg4[%swap3A_562, %swap3A_563, %swap3A_564], %swap3A_567 {strides = array<i32>} : memref<32x256x128xbf16, #tpu.memory_space<vmem>>, vector<1x256x128xbf16>,
    %get3A_568 = arith.constant 0 : index
    %get3A_569 = arith.constant 0 : index
    %get3A_570 = vector.load %arg1[%get3A_568, %get3A_569] : memref<256x784xf32, #tpu.memory_space<vmem>>, vector<256x784xf32>
    %get3A_571 = arith.constant 23 : index
    %get3A_572 = arith.constant 0 : index
    %get3A_573 = arith.constant 0 : index
    %get3A_574 = vector.load %arg2[%get3A_571, %get3A_572, %get3A_573] : memref<32x784x128xf32, #tpu.memory_space<vmem>>, vector<1x784x128xf32>
    %get3A_575 = vector.shape_cast %get3A_574 : vector<1x784x128xf32> to vector<784x128xf32>
    %dot_general3A_576 = arith.constant dense<0.000000e+00> : vector<256x128xf32>
    %dot_general3A_577 = tpu.matmul %get3A_570, %get3A_575, %dot_general3A_576 {dimension_numbers = #tpu.dot_dimension_numbers<[1], [0], [0], [1], [0, 0, 1, 1], [], []>, transpose_lhs_hint = false} : vector<256x784xf32>, vector<784x128xf32>, vector<256x128xf32> -> vector<256x128xf32>
    %get3A_578 = arith.constant 23 : index
    %get3A_579 = arith.constant 0 : index
    %get3A_580 = vector.load %arg3[%get3A_578, %get3A_579] : memref<32x128xf32, #tpu.memory_space<vmem>>, vector<1x128xf32>
    %get3A_581 = vector.shape_cast %get3A_580 : vector<1x128xf32> to vector<128xf32>
    %broadcast_in_dim3A_582 = vector.shape_cast %get3A_581 : vector<128xf32> to vector<1x128xf32>
    %add3A_583 = vector.broadcast %broadcast_in_dim3A_582 : vector<1x128xf32> to vector<256x128xf32>
    %add3A_584 = arith.addf %dot_general3A_577, %add3A_583 : vector<256x128xf32>
    %tanh3A_585 = math.tanh %add3A_584 : vector<256x128xf32>
    %convert_element_type3A_586 = arith.truncf %tanh3A_585 : vector<256x128xf32> to vector<256x128xbf16>
    %swap3A_587 = arith.constant 23 : index
    %swap3A_588 = arith.constant 0 : index
    %swap3A_589 = arith.constant 0 : index
    %swap3A_590 = vector.load %arg4[%swap3A_587, %swap3A_588, %swap3A_589] : memref<32x256x128xbf16, #tpu.memory_space<vmem>>, vector<1x256x128xbf16>
    %swap3A_591 = vector.shape_cast %swap3A_590 : vector<1x256x128xbf16> to vector<256x128xbf16>
    %swap3A_592 = vector.shape_cast %convert_element_type3A_586 : vector<256x128xbf16> to vector<1x256x128xbf16>
    tpu.vector_store %arg4[%swap3A_587, %swap3A_588, %swap3A_589], %swap3A_592 {strides = array<i32>} : memref<32x256x128xbf16, #tpu.memory_space<vmem>>, vector<1x256x128xbf16>,
    %get3A_593 = arith.constant 0 : index
    %get3A_594 = arith.constant 0 : index
    %get3A_595 = vector.load %arg1[%get3A_593, %get3A_594] : memref<256x784xf32, #tpu.memory_space<vmem>>, vector<256x784xf32>
    %get3A_596 = arith.constant 24 : index
    %get3A_597 = arith.constant 0 : index
    %get3A_598 = arith.constant 0 : index
    %get3A_599 = vector.load %arg2[%get3A_596, %get3A_597, %get3A_598] : memref<32x784x128xf32, #tpu.memory_space<vmem>>, vector<1x784x128xf32>
    %get3A_600 = vector.shape_cast %get3A_599 : vector<1x784x128xf32> to vector<784x128xf32>
    %dot_general3A_601 = arith.constant dense<0.000000e+00> : vector<256x128xf32>
    %dot_general3A_602 = tpu.matmul %get3A_595, %get3A_600, %dot_general3A_601 {dimension_numbers = #tpu.dot_dimension_numbers<[1], [0], [0], [1], [0, 0, 1, 1], [], []>, transpose_lhs_hint = false} : vector<256x784xf32>, vector<784x128xf32>, vector<256x128xf32> -> vector<256x128xf32>
    %get3A_603 = arith.constant 24 : index
    %get3A_604 = arith.constant 0 : index
    %get3A_605 = vector.load %arg3[%get3A_603, %get3A_604] : memref<32x128xf32, #tpu.memory_space<vmem>>, vector<1x128xf32>
    %get3A_606 = vector.shape_cast %get3A_605 : vector<1x128xf32> to vector<128xf32>
    %broadcast_in_dim3A_607 = vector.shape_cast %get3A_606 : vector<128xf32> to vector<1x128xf32>
    %add3A_608 = vector.broadcast %broadcast_in_dim3A_607 : vector<1x128xf32> to vector<256x128xf32>
    %add3A_609 = arith.addf %dot_general3A_602, %add3A_608 : vector<256x128xf32>
    %tanh3A_610 = math.tanh %add3A_609 : vector<256x128xf32>
    %convert_element_type3A_611 = arith.truncf %tanh3A_610 : vector<256x128xf32> to vector<256x128xbf16>
    %swap3A_612 = arith.constant 24 : index
    %swap3A_613 = arith.constant 0 : index
    %swap3A_614 = arith.constant 0 : index
    %swap3A_615 = vector.load %arg4[%swap3A_612, %swap3A_613, %swap3A_614] : memref<32x256x128xbf16, #tpu.memory_space<vmem>>, vector<1x256x128xbf16>
    %swap3A_616 = vector.shape_cast %swap3A_615 : vector<1x256x128xbf16> to vector<256x128xbf16>
    %swap3A_617 = vector.shape_cast %convert_element_type3A_611 : vector<256x128xbf16> to vector<1x256x128xbf16>
    tpu.vector_store %arg4[%swap3A_612, %swap3A_613, %swap3A_614], %swap3A_617 {strides = array<i32>} : memref<32x256x128xbf16, #tpu.memory_space<vmem>>, vector<1x256x128xbf16>,
    %get3A_618 = arith.constant 0 : index
    %get3A_619 = arith.constant 0 : index
    %get3A_620 = vector.load %arg1[%get3A_618, %get3A_619] : memref<256x784xf32, #tpu.memory_space<vmem>>, vector<256x784xf32>
    %get3A_621 = arith.constant 25 : index
    %get3A_622 = arith.constant 0 : index
    %get3A_623 = arith.constant 0 : index
    %get3A_624 = vector.load %arg2[%get3A_621, %get3A_622, %get3A_623] : memref<32x784x128xf32, #tpu.memory_space<vmem>>, vector<1x784x128xf32>
    %get3A_625 = vector.shape_cast %get3A_624 : vector<1x784x128xf32> to vector<784x128xf32>
    %dot_general3A_626 = arith.constant dense<0.000000e+00> : vector<256x128xf32>
    %dot_general3A_627 = tpu.matmul %get3A_620, %get3A_625, %dot_general3A_626 {dimension_numbers = #tpu.dot_dimension_numbers<[1], [0], [0], [1], [0, 0, 1, 1], [], []>, transpose_lhs_hint = false} : vector<256x784xf32>, vector<784x128xf32>, vector<256x128xf32> -> vector<256x128xf32>
    %get3A_628 = arith.constant 25 : index
    %get3A_629 = arith.constant 0 : index
    %get3A_630 = vector.load %arg3[%get3A_628, %get3A_629] : memref<32x128xf32, #tpu.memory_space<vmem>>, vector<1x128xf32>
    %get3A_631 = vector.shape_cast %get3A_630 : vector<1x128xf32> to vector<128xf32>
    %broadcast_in_dim3A_632 = vector.shape_cast %get3A_631 : vector<128xf32> to vector<1x128xf32>
    %add3A_633 = vector.broadcast %broadcast_in_dim3A_632 : vector<1x128xf32> to vector<256x128xf32>
    %add3A_634 = arith.addf %dot_general3A_627, %add3A_633 : vector<256x128xf32>
    %tanh3A_635 = math.tanh %add3A_634 : vector<256x128xf32>
    %convert_element_type3A_636 = arith.truncf %tanh3A_635 : vector<256x128xf32> to vector<256x128xbf16>
    %swap3A_637 = arith.constant 25 : index
    %swap3A_638 = arith.constant 0 : index
    %swap3A_639 = arith.constant 0 : index
    %swap3A_640 = vector.load %arg4[%swap3A_637, %swap3A_638, %swap3A_639] : memref<32x256x128xbf16, #tpu.memory_space<vmem>>, vector<1x256x128xbf16>
    %swap3A_641 = vector.shape_cast %swap3A_640 : vector<1x256x128xbf16> to vector<256x128xbf16>
    %swap3A_642 = vector.shape_cast %convert_element_type3A_636 : vector<256x128xbf16> to vector<1x256x128xbf16>
    tpu.vector_store %arg4[%swap3A_637, %swap3A_638, %swap3A_639], %swap3A_642 {strides = array<i32>} : memref<32x256x128xbf16, #tpu.memory_space<vmem>>, vector<1x256x128xbf16>,
    %get3A_643 = arith.constant 0 : index
    %get3A_644 = arith.constant 0 : index
    %get3A_645 = vector.load %arg1[%get3A_643, %get3A_644] : memref<256x784xf32, #tpu.memory_space<vmem>>, vector<256x784xf32>
    %get3A_646 = arith.constant 26 : index
    %get3A_647 = arith.constant 0 : index
    %get3A_648 = arith.constant 0 : index
    %get3A_649 = vector.load %arg2[%get3A_646, %get3A_647, %get3A_648] : memref<32x784x128xf32, #tpu.memory_space<vmem>>, vector<1x784x128xf32>
    %get3A_650 = vector.shape_cast %get3A_649 : vector<1x784x128xf32> to vector<784x128xf32>
    %dot_general3A_651 = arith.constant dense<0.000000e+00> : vector<256x128xf32>
    %dot_general3A_652 = tpu.matmul %get3A_645, %get3A_650, %dot_general3A_651 {dimension_numbers = #tpu.dot_dimension_numbers<[1], [0], [0], [1], [0, 0, 1, 1], [], []>, transpose_lhs_hint = false} : vector<256x784xf32>, vector<784x128xf32>, vector<256x128xf32> -> vector<256x128xf32>
    %get3A_653 = arith.constant 26 : index
    %get3A_654 = arith.constant 0 : index
    %get3A_655 = vector.load %arg3[%get3A_653, %get3A_654] : memref<32x128xf32, #tpu.memory_space<vmem>>, vector<1x128xf32>
    %get3A_656 = vector.shape_cast %get3A_655 : vector<1x128xf32> to vector<128xf32>
    %broadcast_in_dim3A_657 = vector.shape_cast %get3A_656 : vector<128xf32> to vector<1x128xf32>
    %add3A_658 = vector.broadcast %broadcast_in_dim3A_657 : vector<1x128xf32> to vector<256x128xf32>
    %add3A_659 = arith.addf %dot_general3A_652, %add3A_658 : vector<256x128xf32>
    %tanh3A_660 = math.tanh %add3A_659 : vector<256x128xf32>
    %convert_element_type3A_661 = arith.truncf %tanh3A_660 : vector<256x128xf32> to vector<256x128xbf16>
    %swap3A_662 = arith.constant 26 : index
    %swap3A_663 = arith.constant 0 : index
    %swap3A_664 = arith.constant 0 : index
    %swap3A_665 = vector.load %arg4[%swap3A_662, %swap3A_663, %swap3A_664] : memref<32x256x128xbf16, #tpu.memory_space<vmem>>, vector<1x256x128xbf16>
    %swap3A_666 = vector.shape_cast %swap3A_665 : vector<1x256x128xbf16> to vector<256x128xbf16>
    %swap3A_667 = vector.shape_cast %convert_element_type3A_661 : vector<256x128xbf16> to vector<1x256x128xbf16>
    tpu.vector_store %arg4[%swap3A_662, %swap3A_663, %swap3A_664], %swap3A_667 {strides = array<i32>} : memref<32x256x128xbf16, #tpu.memory_space<vmem>>, vector<1x256x128xbf16>,
    %get3A_668 = arith.constant 0 : index
    %get3A_669 = arith.constant 0 : index
    %get3A_670 = vector.load %arg1[%get3A_668, %get3A_669] : memref<256x784xf32, #tpu.memory_space<vmem>>, vector<256x784xf32>
    %get3A_671 = arith.constant 27 : index
    %get3A_672 = arith.constant 0 : index
    %get3A_673 = arith.constant 0 : index
    %get3A_674 = vector.load %arg2[%get3A_671, %get3A_672, %get3A_673] : memref<32x784x128xf32, #tpu.memory_space<vmem>>, vector<1x784x128xf32>
    %get3A_675 = vector.shape_cast %get3A_674 : vector<1x784x128xf32> to vector<784x128xf32>
    %dot_general3A_676 = arith.constant dense<0.000000e+00> : vector<256x128xf32>
    %dot_general3A_677 = tpu.matmul %get3A_670, %get3A_675, %dot_general3A_676 {dimension_numbers = #tpu.dot_dimension_numbers<[1], [0], [0], [1], [0, 0, 1, 1], [], []>, transpose_lhs_hint = false} : vector<256x784xf32>, vector<784x128xf32>, vector<256x128xf32> -> vector<256x128xf32>
    %get3A_678 = arith.constant 27 : index
    %get3A_679 = arith.constant 0 : index
    %get3A_680 = vector.load %arg3[%get3A_678, %get3A_679] : memref<32x128xf32, #tpu.memory_space<vmem>>, vector<1x128xf32>
    %get3A_681 = vector.shape_cast %get3A_680 : vector<1x128xf32> to vector<128xf32>
    %broadcast_in_dim3A_682 = vector.shape_cast %get3A_681 : vector<128xf32> to vector<1x128xf32>
    %add3A_683 = vector.broadcast %broadcast_in_dim3A_682 : vector<1x128xf32> to vector<256x128xf32>
    %add3A_684 = arith.addf %dot_general3A_677, %add3A_683 : vector<256x128xf32>
    %tanh3A_685 = math.tanh %add3A_684 : vector<256x128xf32>
    %convert_element_type3A_686 = arith.truncf %tanh3A_685 : vector<256x128xf32> to vector<256x128xbf16>
    %swap3A_687 = arith.constant 27 : index
    %swap3A_688 = arith.constant 0 : index
    %swap3A_689 = arith.constant 0 : index
    %swap3A_690 = vector.load %arg4[%swap3A_687, %swap3A_688, %swap3A_689] : memref<32x256x128xbf16, #tpu.memory_space<vmem>>, vector<1x256x128xbf16>
    %swap3A_691 = vector.shape_cast %swap3A_690 : vector<1x256x128xbf16> to vector<256x128xbf16>
    %swap3A_692 = vector.shape_cast %convert_element_type3A_686 : vector<256x128xbf16> to vector<1x256x128xbf16>
    tpu.vector_store %arg4[%swap3A_687, %swap3A_688, %swap3A_689], %swap3A_692 {strides = array<i32>} : memref<32x256x128xbf16, #tpu.memory_space<vmem>>, vector<1x256x128xbf16>,
    %get3A_693 = arith.constant 0 : index
    %get3A_694 = arith.constant 0 : index
    %get3A_695 = vector.load %arg1[%get3A_693, %get3A_694] : memref<256x784xf32, #tpu.memory_space<vmem>>, vector<256x784xf32>
    %get3A_696 = arith.constant 28 : index
    %get3A_697 = arith.constant 0 : index
    %get3A_698 = arith.constant 0 : index
    %get3A_699 = vector.load %arg2[%get3A_696, %get3A_697, %get3A_698] : memref<32x784x128xf32, #tpu.memory_space<vmem>>, vector<1x784x128xf32>
    %get3A_700 = vector.shape_cast %get3A_699 : vector<1x784x128xf32> to vector<784x128xf32>
    %dot_general3A_701 = arith.constant dense<0.000000e+00> : vector<256x128xf32>
    %dot_general3A_702 = tpu.matmul %get3A_695, %get3A_700, %dot_general3A_701 {dimension_numbers = #tpu.dot_dimension_numbers<[1], [0], [0], [1], [0, 0, 1, 1], [], []>, transpose_lhs_hint = false} : vector<256x784xf32>, vector<784x128xf32>, vector<256x128xf32> -> vector<256x128xf32>
    %get3A_703 = arith.constant 28 : index
    %get3A_704 = arith.constant 0 : index
    %get3A_705 = vector.load %arg3[%get3A_703, %get3A_704] : memref<32x128xf32, #tpu.memory_space<vmem>>, vector<1x128xf32>
    %get3A_706 = vector.shape_cast %get3A_705 : vector<1x128xf32> to vector<128xf32>
    %broadcast_in_dim3A_707 = vector.shape_cast %get3A_706 : vector<128xf32> to vector<1x128xf32>
    %add3A_708 = vector.broadcast %broadcast_in_dim3A_707 : vector<1x128xf32> to vector<256x128xf32>
    %add3A_709 = arith.addf %dot_general3A_702, %add3A_708 : vector<256x128xf32>
    %tanh3A_710 = math.tanh %add3A_709 : vector<256x128xf32>
    %convert_element_type3A_711 = arith.truncf %tanh3A_710 : vector<256x128xf32> to vector<256x128xbf16>
    %swap3A_712 = arith.constant 28 : index
    %swap3A_713 = arith.constant 0 : index
    %swap3A_714 = arith.constant 0 : index
    %swap3A_715 = vector.load %arg4[%swap3A_712, %swap3A_713, %swap3A_714] : memref<32x256x128xbf16, #tpu.memory_space<vmem>>, vector<1x256x128xbf16>
    %swap3A_716 = vector.shape_cast %swap3A_715 : vector<1x256x128xbf16> to vector<256x128xbf16>
    %swap3A_717 = vector.shape_cast %convert_element_type3A_711 : vector<256x128xbf16> to vector<1x256x128xbf16>
    tpu.vector_store %arg4[%swap3A_712, %swap3A_713, %swap3A_714], %swap3A_717 {strides = array<i32>} : memref<32x256x128xbf16, #tpu.memory_space<vmem>>, vector<1x256x128xbf16>,
    %get3A_718 = arith.constant 0 : index
    %get3A_719 = arith.constant 0 : index
    %get3A_720 = vector.load %arg1[%get3A_718, %get3A_719] : memref<256x784xf32, #tpu.memory_space<vmem>>, vector<256x784xf32>
    %get3A_721 = arith.constant 29 : index
    %get3A_722 = arith.constant 0 : index
    %get3A_723 = arith.constant 0 : index
    %get3A_724 = vector.load %arg2[%get3A_721, %get3A_722, %get3A_723] : memref<32x784x128xf32, #tpu.memory_space<vmem>>, vector<1x784x128xf32>
    %get3A_725 = vector.shape_cast %get3A_724 : vector<1x784x128xf32> to vector<784x128xf32>
    %dot_general3A_726 = arith.constant dense<0.000000e+00> : vector<256x128xf32>
    %dot_general3A_727 = tpu.matmul %get3A_720, %get3A_725, %dot_general3A_726 {dimension_numbers = #tpu.dot_dimension_numbers<[1], [0], [0], [1], [0, 0, 1, 1], [], []>, transpose_lhs_hint = false} : vector<256x784xf32>, vector<784x128xf32>, vector<256x128xf32> -> vector<256x128xf32>
    %get3A_728 = arith.constant 29 : index
    %get3A_729 = arith.constant 0 : index
    %get3A_730 = vector.load %arg3[%get3A_728, %get3A_729] : memref<32x128xf32, #tpu.memory_space<vmem>>, vector<1x128xf32>
    %get3A_731 = vector.shape_cast %get3A_730 : vector<1x128xf32> to vector<128xf32>
    %broadcast_in_dim3A_732 = vector.shape_cast %get3A_731 : vector<128xf32> to vector<1x128xf32>
    %add3A_733 = vector.broadcast %broadcast_in_dim3A_732 : vector<1x128xf32> to vector<256x128xf32>
    %add3A_734 = arith.addf %dot_general3A_727, %add3A_733 : vector<256x128xf32>
    %tanh3A_735 = math.tanh %add3A_734 : vector<256x128xf32>
    %convert_element_type3A_736 = arith.truncf %tanh3A_735 : vector<256x128xf32> to vector<256x128xbf16>
    %swap3A_737 = arith.constant 29 : index
    %swap3A_738 = arith.constant 0 : index
    %swap3A_739 = arith.constant 0 : index
    %swap3A_740 = vector.load %arg4[%swap3A_737, %swap3A_738, %swap3A_739] : memref<32x256x128xbf16, #tpu.memory_space<vmem>>, vector<1x256x128xbf16>
    %swap3A_741 = vector.shape_cast %swap3A_740 : vector<1x256x128xbf16> to vector<256x128xbf16>
    %swap3A_742 = vector.shape_cast %convert_element_type3A_736 : vector<256x128xbf16> to vector<1x256x128xbf16>
    tpu.vector_store %arg4[%swap3A_737, %swap3A_738, %swap3A_739], %swap3A_742 {strides = array<i32>} : memref<32x256x128xbf16, #tpu.memory_space<vmem>>, vector<1x256x128xbf16>,
    %get3A_743 = arith.constant 0 : index
    %get3A_744 = arith.constant 0 : index
    %get3A_745 = vector.load %arg1[%get3A_743, %get3A_744] : memref<256x784xf32, #tpu.memory_space<vmem>>, vector<256x784xf32>
    %get3A_746 = arith.constant 30 : index
    %get3A_747 = arith.constant 0 : index
    %get3A_748 = arith.constant 0 : index
    %get3A_749 = vector.load %arg2[%get3A_746, %get3A_747, %get3A_748] : memref<32x784x128xf32, #tpu.memory_space<vmem>>, vector<1x784x128xf32>
    %get3A_750 = vector.shape_cast %get3A_749 : vector<1x784x128xf32> to vector<784x128xf32>
    %dot_general3A_751 = arith.constant dense<0.000000e+00> : vector<256x128xf32>
    %dot_general3A_752 = tpu.matmul %get3A_745, %get3A_750, %dot_general3A_751 {dimension_numbers = #tpu.dot_dimension_numbers<[1], [0], [0], [1], [0, 0, 1, 1], [], []>, transpose_lhs_hint = false} : vector<256x784xf32>, vector<784x128xf32>, vector<256x128xf32> -> vector<256x128xf32>
    %get3A_753 = arith.constant 30 : index
    %get3A_754 = arith.constant 0 : index
    %get3A_755 = vector.load %arg3[%get3A_753, %get3A_754] : memref<32x128xf32, #tpu.memory_space<vmem>>, vector<1x128xf32>
    %get3A_756 = vector.shape_cast %get3A_755 : vector<1x128xf32> to vector<128xf32>
    %broadcast_in_dim3A_757 = vector.shape_cast %get3A_756 : vector<128xf32> to vector<1x128xf32>
    %add3A_758 = vector.broadcast %broadcast_in_dim3A_757 : vector<1x128xf32> to vector<256x128xf32>
    %add3A_759 = arith.addf %dot_general3A_752, %add3A_758 : vector<256x128xf32>
    %tanh3A_760 = math.tanh %add3A_759 : vector<256x128xf32>
    %convert_element_type3A_761 = arith.truncf %tanh3A_760 : vector<256x128xf32> to vector<256x128xbf16>
    %swap3A_762 = arith.constant 30 : index
    %swap3A_763 = arith.constant 0 : index
    %swap3A_764 = arith.constant 0 : index
    %swap3A_765 = vector.load %arg4[%swap3A_762, %swap3A_763, %swap3A_764] : memref<32x256x128xbf16, #tpu.memory_space<vmem>>, vector<1x256x128xbf16>
    %swap3A_766 = vector.shape_cast %swap3A_765 : vector<1x256x128xbf16> to vector<256x128xbf16>
    %swap3A_767 = vector.shape_cast %convert_element_type3A_761 : vector<256x128xbf16> to vector<1x256x128xbf16>
    tpu.vector_store %arg4[%swap3A_762, %swap3A_763, %swap3A_764], %swap3A_767 {strides = array<i32>} : memref<32x256x128xbf16, #tpu.memory_space<vmem>>, vector<1x256x128xbf16>,
    %get3A_768 = arith.constant 0 : index
    %get3A_769 = arith.constant 0 : index
    %get3A_770 = vector.load %arg1[%get3A_768, %get3A_769] : memref<256x784xf32, #tpu.memory_space<vmem>>, vector<256x784xf32>
    %get3A_771 = arith.constant 31 : index
    %get3A_772 = arith.constant 0 : index
    %get3A_773 = arith.constant 0 : index
    %get3A_774 = vector.load %arg2[%get3A_771, %get3A_772, %get3A_773] : memref<32x784x128xf32, #tpu.memory_space<vmem>>, vector<1x784x128xf32>
    %get3A_775 = vector.shape_cast %get3A_774 : vector<1x784x128xf32> to vector<784x128xf32>
    %dot_general3A_776 = arith.constant dense<0.000000e+00> : vector<256x128xf32>
    %dot_general3A_777 = tpu.matmul %get3A_770, %get3A_775, %dot_general3A_776 {dimension_numbers = #tpu.dot_dimension_numbers<[1], [0], [0], [1], [0, 0, 1, 1], [], []>, transpose_lhs_hint = false} : vector<256x784xf32>, vector<784x128xf32>, vector<256x128xf32> -> vector<256x128xf32>
    %get3A_778 = arith.constant 31 : index
    %get3A_779 = arith.constant 0 : index
    %get3A_780 = vector.load %arg3[%get3A_778, %get3A_779] : memref<32x128xf32, #tpu.memory_space<vmem>>, vector<1x128xf32>
    %get3A_781 = vector.shape_cast %get3A_780 : vector<1x128xf32> to vector<128xf32>
    %broadcast_in_dim3A_782 = vector.shape_cast %get3A_781 : vector<128xf32> to vector<1x128xf32>
    %add3A_783 = vector.broadcast %broadcast_in_dim3A_782 : vector<1x128xf32> to vector<256x128xf32>
    %add3A_784 = arith.addf %dot_general3A_777, %add3A_783 : vector<256x128xf32>
    %tanh3A_785 = math.tanh %add3A_784 : vector<256x128xf32>
    %convert_element_type3A_786 = arith.truncf %tanh3A_785 : vector<256x128xf32> to vector<256x128xbf16>
    %swap3A_787 = arith.constant 31 : index
    %swap3A_788 = arith.constant 0 : index
    %swap3A_789 = arith.constant 0 : index
    %swap3A_790 = vector.load %arg4[%swap3A_787, %swap3A_788, %swap3A_789] : memref<32x256x128xbf16, #tpu.memory_space<vmem>>, vector<1x256x128xbf16>
    %swap3A_791 = vector.shape_cast %swap3A_790 : vector<1x256x128xbf16> to vector<256x128xbf16>
    %swap3A_792 = vector.shape_cast %convert_element_type3A_786 : vector<256x128xbf16> to vector<1x256x128xbf16>
    tpu.vector_store %arg4[%swap3A_787, %swap3A_788, %swap3A_789], %swap3A_792 {strides = array<i32>} : memref<32x256x128xbf16, #tpu.memory_space<vmem>>, vector<1x256x128xbf16>,
    return
  }
  func.func @transform_0(%arg0: i32) -> (i32, i32) {
    %c0_i32 = arith.constant 0 : i32
    %c0_i32_0 = arith.constant 0 : i32
    %c0_i32_1 = arith.constant 0 : i32
    return %c0_i32, %c0_i32_0 : i32, i32
  }
  func.func @transform_1(%arg0: i32) -> (i32, i32, i32) {
    %c0_i32 = arith.constant 0 : i32
    %c0_i32_0 = arith.constant 0 : i32
    %c0_i32_1 = arith.constant 0 : i32
    return %arg0, %c0_i32, %c0_i32_0 : i32, i32, i32
  }
  func.func @transform_2(%arg0: i32) -> (i32, i32) {
    %c0_i32 = arith.constant 0 : i32
    %c0_i32_0 = arith.constant 0 : i32
    return %arg0, %c0_i32 : i32, i32
  }
  func.func @transform_3(%arg0: i32) -> (i32, i32, i32) {
    %c0_i32 = arith.constant 0 : i32
    %c0_i32_0 = arith.constant 0 : i32
    %c0_i32_1 = arith.constant 0 : i32
    return %arg0, %c0_i32, %c0_i32_0 : i32, i32, i32
  }
}

module attributes {stable_mosaic.version = 14 : i64} {
  func.func @body(%arg0: i32, %arg1: memref<128xf32, #tpu.memory_space<smem>>, %arg2: memref<32x256x128xbf16, #tpu.memory_space<vmem>>, %arg3: memref<256x128xf32, #tpu.memory_space<vmem>>) attributes {dimension_semantics = [#tpu.dimension_semantics<arbitrary>], iteration_bounds = array<i64: 4>, scalar_prefetch = 0 : i64, scratch_operands = 0 : i64, tpu.core_type = #tpu.core_type<tc>, window_params = [{transform_indices = @transform_0, window_bounds = array<i64: 128>}, {transform_indices = @transform_1, window_bounds = array<i64: 32, 256, 128>}, {pipeline_mode = #tpu.pipeline_mode<synchronous>, transform_indices = @transform_2, window_bounds = array<i64: 256, 128>}]} {
    %eq3A = arith.constant 0 : i32
    %eq3A_0 = arith.cmpi eq, %arg0, %eq3A : i32
    %convert_element_type3A = arith.extui %eq3A_0 : i1 to i32
    %cond3A = arith.constant 0 : i32
    %cond3A_1 = arith.cmpi ne, %convert_element_type3A, %cond3A : i32
    scf.if %cond3A_1 {
      %broadcast_in_dim3A = arith.constant 0.000000e+00 : f32
      %broadcast_in_dim3A_484 = vector.broadcast %broadcast_in_dim3A : f32 to vector<256x128xf32>
      %swap3A_485 = arith.constant 0 : index
      %swap3A_486 = arith.constant 0 : index
      %swap3A_487 = vector.load %arg3[%swap3A_485, %swap3A_486] : memref<256x128xf32, #tpu.memory_space<vmem>>, vector<256x128xf32>
      tpu.vector_store %arg3[%swap3A_485, %swap3A_486], %broadcast_in_dim3A_484 {strides = array<i32>} : memref<256x128xf32, #tpu.memory_space<vmem>>, vector<256x128xf32>,
    } else {
    }
    %get3A = arith.constant 0 : index
    %get3A_2 = arith.constant 0 : index
    %get3A_3 = vector.load %arg3[%get3A, %get3A_2] : memref<256x128xf32, #tpu.memory_space<vmem>>, vector<256x128xf32>
    %mul3A = arith.constant 32 : i32
    %mul3A_4 = arith.muli %arg0, %mul3A : i32
    %add3A = arith.constant 0 : i32
    %add3A_5 = arith.addi %mul3A_4, %add3A : i32
    %get3A_6 = arith.index_cast %add3A_5 : i32 to index
    %get3A_7 = memref.load %arg1[%get3A_6] : memref<128xf32, #tpu.memory_space<smem>>
    %get3A_8 = arith.constant 0 : index
    %get3A_9 = arith.constant 0 : index
    %get3A_10 = arith.constant 0 : index
    %get3A_11 = vector.load %arg2[%get3A_8, %get3A_9, %get3A_10] : memref<32x256x128xbf16, #tpu.memory_space<vmem>>, vector<1x256x128xbf16>
    %get3A_12 = vector.shape_cast %get3A_11 : vector<1x256x128xbf16> to vector<256x128xbf16>
    %convert_element_type3A_13 = arith.extf %get3A_12 : vector<256x128xbf16> to vector<256x128xf32>
    %mul3A_14 = vector.broadcast %get3A_7 : f32 to vector<256x128xf32>
    %mul3A_15 = arith.mulf %mul3A_14, %convert_element_type3A_13 : vector<256x128xf32>
    %add3A_16 = arith.addf %get3A_3, %mul3A_15 : vector<256x128xf32>
    %mul3A_17 = arith.constant 32 : i32
    %mul3A_18 = arith.muli %arg0, %mul3A_17 : i32
    %add3A_19 = arith.constant 1 : i32
    %add3A_20 = arith.addi %mul3A_18, %add3A_19 : i32
    %get3A_21 = arith.index_cast %add3A_20 : i32 to index
    %get3A_22 = memref.load %arg1[%get3A_21] : memref<128xf32, #tpu.memory_space<smem>>
    %get3A_23 = arith.constant 1 : index
    %get3A_24 = arith.constant 0 : index
    %get3A_25 = arith.constant 0 : index
    %get3A_26 = vector.load %arg2[%get3A_23, %get3A_24, %get3A_25] : memref<32x256x128xbf16, #tpu.memory_space<vmem>>, vector<1x256x128xbf16>
    %get3A_27 = vector.shape_cast %get3A_26 : vector<1x256x128xbf16> to vector<256x128xbf16>
    %convert_element_type3A_28 = arith.extf %get3A_27 : vector<256x128xbf16> to vector<256x128xf32>
    %mul3A_29 = vector.broadcast %get3A_22 : f32 to vector<256x128xf32>
    %mul3A_30 = arith.mulf %mul3A_29, %convert_element_type3A_28 : vector<256x128xf32>
    %add3A_31 = arith.addf %add3A_16, %mul3A_30 : vector<256x128xf32>
    %mul3A_32 = arith.constant 32 : i32
    %mul3A_33 = arith.muli %arg0, %mul3A_32 : i32
    %add3A_34 = arith.constant 2 : i32
    %add3A_35 = arith.addi %mul3A_33, %add3A_34 : i32
    %get3A_36 = arith.index_cast %add3A_35 : i32 to index
    %get3A_37 = memref.load %arg1[%get3A_36] : memref<128xf32, #tpu.memory_space<smem>>
    %get3A_38 = arith.constant 2 : index
    %get3A_39 = arith.constant 0 : index
    %get3A_40 = arith.constant 0 : index
    %get3A_41 = vector.load %arg2[%get3A_38, %get3A_39, %get3A_40] : memref<32x256x128xbf16, #tpu.memory_space<vmem>>, vector<1x256x128xbf16>
    %get3A_42 = vector.shape_cast %get3A_41 : vector<1x256x128xbf16> to vector<256x128xbf16>
    %convert_element_type3A_43 = arith.extf %get3A_42 : vector<256x128xbf16> to vector<256x128xf32>
    %mul3A_44 = vector.broadcast %get3A_37 : f32 to vector<256x128xf32>
    %mul3A_45 = arith.mulf %mul3A_44, %convert_element_type3A_43 : vector<256x128xf32>
    %add3A_46 = arith.addf %add3A_31, %mul3A_45 : vector<256x128xf32>
    %mul3A_47 = arith.constant 32 : i32
    %mul3A_48 = arith.muli %arg0, %mul3A_47 : i32
    %add3A_49 = arith.constant 3 : i32
    %add3A_50 = arith.addi %mul3A_48, %add3A_49 : i32
    %get3A_51 = arith.index_cast %add3A_50 : i32 to index
    %get3A_52 = memref.load %arg1[%get3A_51] : memref<128xf32, #tpu.memory_space<smem>>
    %get3A_53 = arith.constant 3 : index
    %get3A_54 = arith.constant 0 : index
    %get3A_55 = arith.constant 0 : index
    %get3A_56 = vector.load %arg2[%get3A_53, %get3A_54, %get3A_55] : memref<32x256x128xbf16, #tpu.memory_space<vmem>>, vector<1x256x128xbf16>
    %get3A_57 = vector.shape_cast %get3A_56 : vector<1x256x128xbf16> to vector<256x128xbf16>
    %convert_element_type3A_58 = arith.extf %get3A_57 : vector<256x128xbf16> to vector<256x128xf32>
    %mul3A_59 = vector.broadcast %get3A_52 : f32 to vector<256x128xf32>
    %mul3A_60 = arith.mulf %mul3A_59, %convert_element_type3A_58 : vector<256x128xf32>
    %add3A_61 = arith.addf %add3A_46, %mul3A_60 : vector<256x128xf32>
    %mul3A_62 = arith.constant 32 : i32
    %mul3A_63 = arith.muli %arg0, %mul3A_62 : i32
    %add3A_64 = arith.constant 4 : i32
    %add3A_65 = arith.addi %mul3A_63, %add3A_64 : i32
    %get3A_66 = arith.index_cast %add3A_65 : i32 to index
    %get3A_67 = memref.load %arg1[%get3A_66] : memref<128xf32, #tpu.memory_space<smem>>
    %get3A_68 = arith.constant 4 : index
    %get3A_69 = arith.constant 0 : index
    %get3A_70 = arith.constant 0 : index
    %get3A_71 = vector.load %arg2[%get3A_68, %get3A_69, %get3A_70] : memref<32x256x128xbf16, #tpu.memory_space<vmem>>, vector<1x256x128xbf16>
    %get3A_72 = vector.shape_cast %get3A_71 : vector<1x256x128xbf16> to vector<256x128xbf16>
    %convert_element_type3A_73 = arith.extf %get3A_72 : vector<256x128xbf16> to vector<256x128xf32>
    %mul3A_74 = vector.broadcast %get3A_67 : f32 to vector<256x128xf32>
    %mul3A_75 = arith.mulf %mul3A_74, %convert_element_type3A_73 : vector<256x128xf32>
    %add3A_76 = arith.addf %add3A_61, %mul3A_75 : vector<256x128xf32>
    %mul3A_77 = arith.constant 32 : i32
    %mul3A_78 = arith.muli %arg0, %mul3A_77 : i32
    %add3A_79 = arith.constant 5 : i32
    %add3A_80 = arith.addi %mul3A_78, %add3A_79 : i32
    %get3A_81 = arith.index_cast %add3A_80 : i32 to index
    %get3A_82 = memref.load %arg1[%get3A_81] : memref<128xf32, #tpu.memory_space<smem>>
    %get3A_83 = arith.constant 5 : index
    %get3A_84 = arith.constant 0 : index
    %get3A_85 = arith.constant 0 : index
    %get3A_86 = vector.load %arg2[%get3A_83, %get3A_84, %get3A_85] : memref<32x256x128xbf16, #tpu.memory_space<vmem>>, vector<1x256x128xbf16>
    %get3A_87 = vector.shape_cast %get3A_86 : vector<1x256x128xbf16> to vector<256x128xbf16>
    %convert_element_type3A_88 = arith.extf %get3A_87 : vector<256x128xbf16> to vector<256x128xf32>
    %mul3A_89 = vector.broadcast %get3A_82 : f32 to vector<256x128xf32>
    %mul3A_90 = arith.mulf %mul3A_89, %convert_element_type3A_88 : vector<256x128xf32>
    %add3A_91 = arith.addf %add3A_76, %mul3A_90 : vector<256x128xf32>
    %mul3A_92 = arith.constant 32 : i32
    %mul3A_93 = arith.muli %arg0, %mul3A_92 : i32
    %add3A_94 = arith.constant 6 : i32
    %add3A_95 = arith.addi %mul3A_93, %add3A_94 : i32
    %get3A_96 = arith.index_cast %add3A_95 : i32 to index
    %get3A_97 = memref.load %arg1[%get3A_96] : memref<128xf32, #tpu.memory_space<smem>>
    %get3A_98 = arith.constant 6 : index
    %get3A_99 = arith.constant 0 : index
    %get3A_100 = arith.constant 0 : index
    %get3A_101 = vector.load %arg2[%get3A_98, %get3A_99, %get3A_100] : memref<32x256x128xbf16, #tpu.memory_space<vmem>>, vector<1x256x128xbf16>
    %get3A_102 = vector.shape_cast %get3A_101 : vector<1x256x128xbf16> to vector<256x128xbf16>
    %convert_element_type3A_103 = arith.extf %get3A_102 : vector<256x128xbf16> to vector<256x128xf32>
    %mul3A_104 = vector.broadcast %get3A_97 : f32 to vector<256x128xf32>
    %mul3A_105 = arith.mulf %mul3A_104, %convert_element_type3A_103 : vector<256x128xf32>
    %add3A_106 = arith.addf %add3A_91, %mul3A_105 : vector<256x128xf32>
    %mul3A_107 = arith.constant 32 : i32
    %mul3A_108 = arith.muli %arg0, %mul3A_107 : i32
    %add3A_109 = arith.constant 7 : i32
    %add3A_110 = arith.addi %mul3A_108, %add3A_109 : i32
    %get3A_111 = arith.index_cast %add3A_110 : i32 to index
    %get3A_112 = memref.load %arg1[%get3A_111] : memref<128xf32, #tpu.memory_space<smem>>
    %get3A_113 = arith.constant 7 : index
    %get3A_114 = arith.constant 0 : index
    %get3A_115 = arith.constant 0 : index
    %get3A_116 = vector.load %arg2[%get3A_113, %get3A_114, %get3A_115] : memref<32x256x128xbf16, #tpu.memory_space<vmem>>, vector<1x256x128xbf16>
    %get3A_117 = vector.shape_cast %get3A_116 : vector<1x256x128xbf16> to vector<256x128xbf16>
    %convert_element_type3A_118 = arith.extf %get3A_117 : vector<256x128xbf16> to vector<256x128xf32>
    %mul3A_119 = vector.broadcast %get3A_112 : f32 to vector<256x128xf32>
    %mul3A_120 = arith.mulf %mul3A_119, %convert_element_type3A_118 : vector<256x128xf32>
    %add3A_121 = arith.addf %add3A_106, %mul3A_120 : vector<256x128xf32>
    %mul3A_122 = arith.constant 32 : i32
    %mul3A_123 = arith.muli %arg0, %mul3A_122 : i32
    %add3A_124 = arith.constant 8 : i32
    %add3A_125 = arith.addi %mul3A_123, %add3A_124 : i32
    %get3A_126 = arith.index_cast %add3A_125 : i32 to index
    %get3A_127 = memref.load %arg1[%get3A_126] : memref<128xf32, #tpu.memory_space<smem>>
    %get3A_128 = arith.constant 8 : index
    %get3A_129 = arith.constant 0 : index
    %get3A_130 = arith.constant 0 : index
    %get3A_131 = vector.load %arg2[%get3A_128, %get3A_129, %get3A_130] : memref<32x256x128xbf16, #tpu.memory_space<vmem>>, vector<1x256x128xbf16>
    %get3A_132 = vector.shape_cast %get3A_131 : vector<1x256x128xbf16> to vector<256x128xbf16>
    %convert_element_type3A_133 = arith.extf %get3A_132 : vector<256x128xbf16> to vector<256x128xf32>
    %mul3A_134 = vector.broadcast %get3A_127 : f32 to vector<256x128xf32>
    %mul3A_135 = arith.mulf %mul3A_134, %convert_element_type3A_133 : vector<256x128xf32>
    %add3A_136 = arith.addf %add3A_121, %mul3A_135 : vector<256x128xf32>
    %mul3A_137 = arith.constant 32 : i32
    %mul3A_138 = arith.muli %arg0, %mul3A_137 : i32
    %add3A_139 = arith.constant 9 : i32
    %add3A_140 = arith.addi %mul3A_138, %add3A_139 : i32
    %get3A_141 = arith.index_cast %add3A_140 : i32 to index
    %get3A_142 = memref.load %arg1[%get3A_141] : memref<128xf32, #tpu.memory_space<smem>>
    %get3A_143 = arith.constant 9 : index
    %get3A_144 = arith.constant 0 : index
    %get3A_145 = arith.constant 0 : index
    %get3A_146 = vector.load %arg2[%get3A_143, %get3A_144, %get3A_145] : memref<32x256x128xbf16, #tpu.memory_space<vmem>>, vector<1x256x128xbf16>
    %get3A_147 = vector.shape_cast %get3A_146 : vector<1x256x128xbf16> to vector<256x128xbf16>
    %convert_element_type3A_148 = arith.extf %get3A_147 : vector<256x128xbf16> to vector<256x128xf32>
    %mul3A_149 = vector.broadcast %get3A_142 : f32 to vector<256x128xf32>
    %mul3A_150 = arith.mulf %mul3A_149, %convert_element_type3A_148 : vector<256x128xf32>
    %add3A_151 = arith.addf %add3A_136, %mul3A_150 : vector<256x128xf32>
    %mul3A_152 = arith.constant 32 : i32
    %mul3A_153 = arith.muli %arg0, %mul3A_152 : i32
    %add3A_154 = arith.constant 10 : i32
    %add3A_155 = arith.addi %mul3A_153, %add3A_154 : i32
    %get3A_156 = arith.index_cast %add3A_155 : i32 to index
    %get3A_157 = memref.load %arg1[%get3A_156] : memref<128xf32, #tpu.memory_space<smem>>
    %get3A_158 = arith.constant 10 : index
    %get3A_159 = arith.constant 0 : index
    %get3A_160 = arith.constant 0 : index
    %get3A_161 = vector.load %arg2[%get3A_158, %get3A_159, %get3A_160] : memref<32x256x128xbf16, #tpu.memory_space<vmem>>, vector<1x256x128xbf16>
    %get3A_162 = vector.shape_cast %get3A_161 : vector<1x256x128xbf16> to vector<256x128xbf16>
    %convert_element_type3A_163 = arith.extf %get3A_162 : vector<256x128xbf16> to vector<256x128xf32>
    %mul3A_164 = vector.broadcast %get3A_157 : f32 to vector<256x128xf32>
    %mul3A_165 = arith.mulf %mul3A_164, %convert_element_type3A_163 : vector<256x128xf32>
    %add3A_166 = arith.addf %add3A_151, %mul3A_165 : vector<256x128xf32>
    %mul3A_167 = arith.constant 32 : i32
    %mul3A_168 = arith.muli %arg0, %mul3A_167 : i32
    %add3A_169 = arith.constant 11 : i32
    %add3A_170 = arith.addi %mul3A_168, %add3A_169 : i32
    %get3A_171 = arith.index_cast %add3A_170 : i32 to index
    %get3A_172 = memref.load %arg1[%get3A_171] : memref<128xf32, #tpu.memory_space<smem>>
    %get3A_173 = arith.constant 11 : index
    %get3A_174 = arith.constant 0 : index
    %get3A_175 = arith.constant 0 : index
    %get3A_176 = vector.load %arg2[%get3A_173, %get3A_174, %get3A_175] : memref<32x256x128xbf16, #tpu.memory_space<vmem>>, vector<1x256x128xbf16>
    %get3A_177 = vector.shape_cast %get3A_176 : vector<1x256x128xbf16> to vector<256x128xbf16>
    %convert_element_type3A_178 = arith.extf %get3A_177 : vector<256x128xbf16> to vector<256x128xf32>
    %mul3A_179 = vector.broadcast %get3A_172 : f32 to vector<256x128xf32>
    %mul3A_180 = arith.mulf %mul3A_179, %convert_element_type3A_178 : vector<256x128xf32>
    %add3A_181 = arith.addf %add3A_166, %mul3A_180 : vector<256x128xf32>
    %mul3A_182 = arith.constant 32 : i32
    %mul3A_183 = arith.muli %arg0, %mul3A_182 : i32
    %add3A_184 = arith.constant 12 : i32
    %add3A_185 = arith.addi %mul3A_183, %add3A_184 : i32
    %get3A_186 = arith.index_cast %add3A_185 : i32 to index
    %get3A_187 = memref.load %arg1[%get3A_186] : memref<128xf32, #tpu.memory_space<smem>>
    %get3A_188 = arith.constant 12 : index
    %get3A_189 = arith.constant 0 : index
    %get3A_190 = arith.constant 0 : index
    %get3A_191 = vector.load %arg2[%get3A_188, %get3A_189, %get3A_190] : memref<32x256x128xbf16, #tpu.memory_space<vmem>>, vector<1x256x128xbf16>
    %get3A_192 = vector.shape_cast %get3A_191 : vector<1x256x128xbf16> to vector<256x128xbf16>
    %convert_element_type3A_193 = arith.extf %get3A_192 : vector<256x128xbf16> to vector<256x128xf32>
    %mul3A_194 = vector.broadcast %get3A_187 : f32 to vector<256x128xf32>
    %mul3A_195 = arith.mulf %mul3A_194, %convert_element_type3A_193 : vector<256x128xf32>
    %add3A_196 = arith.addf %add3A_181, %mul3A_195 : vector<256x128xf32>
    %mul3A_197 = arith.constant 32 : i32
    %mul3A_198 = arith.muli %arg0, %mul3A_197 : i32
    %add3A_199 = arith.constant 13 : i32
    %add3A_200 = arith.addi %mul3A_198, %add3A_199 : i32
    %get3A_201 = arith.index_cast %add3A_200 : i32 to index
    %get3A_202 = memref.load %arg1[%get3A_201] : memref<128xf32, #tpu.memory_space<smem>>
    %get3A_203 = arith.constant 13 : index
    %get3A_204 = arith.constant 0 : index
    %get3A_205 = arith.constant 0 : index
    %get3A_206 = vector.load %arg2[%get3A_203, %get3A_204, %get3A_205] : memref<32x256x128xbf16, #tpu.memory_space<vmem>>, vector<1x256x128xbf16>
    %get3A_207 = vector.shape_cast %get3A_206 : vector<1x256x128xbf16> to vector<256x128xbf16>
    %convert_element_type3A_208 = arith.extf %get3A_207 : vector<256x128xbf16> to vector<256x128xf32>
    %mul3A_209 = vector.broadcast %get3A_202 : f32 to vector<256x128xf32>
    %mul3A_210 = arith.mulf %mul3A_209, %convert_element_type3A_208 : vector<256x128xf32>
    %add3A_211 = arith.addf %add3A_196, %mul3A_210 : vector<256x128xf32>
    %mul3A_212 = arith.constant 32 : i32
    %mul3A_213 = arith.muli %arg0, %mul3A_212 : i32
    %add3A_214 = arith.constant 14 : i32
    %add3A_215 = arith.addi %mul3A_213, %add3A_214 : i32
    %get3A_216 = arith.index_cast %add3A_215 : i32 to index
    %get3A_217 = memref.load %arg1[%get3A_216] : memref<128xf32, #tpu.memory_space<smem>>
    %get3A_218 = arith.constant 14 : index
    %get3A_219 = arith.constant 0 : index
    %get3A_220 = arith.constant 0 : index
    %get3A_221 = vector.load %arg2[%get3A_218, %get3A_219, %get3A_220] : memref<32x256x128xbf16, #tpu.memory_space<vmem>>, vector<1x256x128xbf16>
    %get3A_222 = vector.shape_cast %get3A_221 : vector<1x256x128xbf16> to vector<256x128xbf16>
    %convert_element_type3A_223 = arith.extf %get3A_222 : vector<256x128xbf16> to vector<256x128xf32>
    %mul3A_224 = vector.broadcast %get3A_217 : f32 to vector<256x128xf32>
    %mul3A_225 = arith.mulf %mul3A_224, %convert_element_type3A_223 : vector<256x128xf32>
    %add3A_226 = arith.addf %add3A_211, %mul3A_225 : vector<256x128xf32>
    %mul3A_227 = arith.constant 32 : i32
    %mul3A_228 = arith.muli %arg0, %mul3A_227 : i32
    %add3A_229 = arith.constant 15 : i32
    %add3A_230 = arith.addi %mul3A_228, %add3A_229 : i32
    %get3A_231 = arith.index_cast %add3A_230 : i32 to index
    %get3A_232 = memref.load %arg1[%get3A_231] : memref<128xf32, #tpu.memory_space<smem>>
    %get3A_233 = arith.constant 15 : index
    %get3A_234 = arith.constant 0 : index
    %get3A_235 = arith.constant 0 : index
    %get3A_236 = vector.load %arg2[%get3A_233, %get3A_234, %get3A_235] : memref<32x256x128xbf16, #tpu.memory_space<vmem>>, vector<1x256x128xbf16>
    %get3A_237 = vector.shape_cast %get3A_236 : vector<1x256x128xbf16> to vector<256x128xbf16>
    %convert_element_type3A_238 = arith.extf %get3A_237 : vector<256x128xbf16> to vector<256x128xf32>
    %mul3A_239 = vector.broadcast %get3A_232 : f32 to vector<256x128xf32>
    %mul3A_240 = arith.mulf %mul3A_239, %convert_element_type3A_238 : vector<256x128xf32>
    %add3A_241 = arith.addf %add3A_226, %mul3A_240 : vector<256x128xf32>
    %mul3A_242 = arith.constant 32 : i32
    %mul3A_243 = arith.muli %arg0, %mul3A_242 : i32
    %add3A_244 = arith.constant 16 : i32
    %add3A_245 = arith.addi %mul3A_243, %add3A_244 : i32
    %get3A_246 = arith.index_cast %add3A_245 : i32 to index
    %get3A_247 = memref.load %arg1[%get3A_246] : memref<128xf32, #tpu.memory_space<smem>>
    %get3A_248 = arith.constant 16 : index
    %get3A_249 = arith.constant 0 : index
    %get3A_250 = arith.constant 0 : index
    %get3A_251 = vector.load %arg2[%get3A_248, %get3A_249, %get3A_250] : memref<32x256x128xbf16, #tpu.memory_space<vmem>>, vector<1x256x128xbf16>
    %get3A_252 = vector.shape_cast %get3A_251 : vector<1x256x128xbf16> to vector<256x128xbf16>
    %convert_element_type3A_253 = arith.extf %get3A_252 : vector<256x128xbf16> to vector<256x128xf32>
    %mul3A_254 = vector.broadcast %get3A_247 : f32 to vector<256x128xf32>
    %mul3A_255 = arith.mulf %mul3A_254, %convert_element_type3A_253 : vector<256x128xf32>
    %add3A_256 = arith.addf %add3A_241, %mul3A_255 : vector<256x128xf32>
    %mul3A_257 = arith.constant 32 : i32
    %mul3A_258 = arith.muli %arg0, %mul3A_257 : i32
    %add3A_259 = arith.constant 17 : i32
    %add3A_260 = arith.addi %mul3A_258, %add3A_259 : i32
    %get3A_261 = arith.index_cast %add3A_260 : i32 to index
    %get3A_262 = memref.load %arg1[%get3A_261] : memref<128xf32, #tpu.memory_space<smem>>
    %get3A_263 = arith.constant 17 : index
    %get3A_264 = arith.constant 0 : index
    %get3A_265 = arith.constant 0 : index
    %get3A_266 = vector.load %arg2[%get3A_263, %get3A_264, %get3A_265] : memref<32x256x128xbf16, #tpu.memory_space<vmem>>, vector<1x256x128xbf16>
    %get3A_267 = vector.shape_cast %get3A_266 : vector<1x256x128xbf16> to vector<256x128xbf16>
    %convert_element_type3A_268 = arith.extf %get3A_267 : vector<256x128xbf16> to vector<256x128xf32>
    %mul3A_269 = vector.broadcast %get3A_262 : f32 to vector<256x128xf32>
    %mul3A_270 = arith.mulf %mul3A_269, %convert_element_type3A_268 : vector<256x128xf32>
    %add3A_271 = arith.addf %add3A_256, %mul3A_270 : vector<256x128xf32>
    %mul3A_272 = arith.constant 32 : i32
    %mul3A_273 = arith.muli %arg0, %mul3A_272 : i32
    %add3A_274 = arith.constant 18 : i32
    %add3A_275 = arith.addi %mul3A_273, %add3A_274 : i32
    %get3A_276 = arith.index_cast %add3A_275 : i32 to index
    %get3A_277 = memref.load %arg1[%get3A_276] : memref<128xf32, #tpu.memory_space<smem>>
    %get3A_278 = arith.constant 18 : index
    %get3A_279 = arith.constant 0 : index
    %get3A_280 = arith.constant 0 : index
    %get3A_281 = vector.load %arg2[%get3A_278, %get3A_279, %get3A_280] : memref<32x256x128xbf16, #tpu.memory_space<vmem>>, vector<1x256x128xbf16>
    %get3A_282 = vector.shape_cast %get3A_281 : vector<1x256x128xbf16> to vector<256x128xbf16>
    %convert_element_type3A_283 = arith.extf %get3A_282 : vector<256x128xbf16> to vector<256x128xf32>
    %mul3A_284 = vector.broadcast %get3A_277 : f32 to vector<256x128xf32>
    %mul3A_285 = arith.mulf %mul3A_284, %convert_element_type3A_283 : vector<256x128xf32>
    %add3A_286 = arith.addf %add3A_271, %mul3A_285 : vector<256x128xf32>
    %mul3A_287 = arith.constant 32 : i32
    %mul3A_288 = arith.muli %arg0, %mul3A_287 : i32
    %add3A_289 = arith.constant 19 : i32
    %add3A_290 = arith.addi %mul3A_288, %add3A_289 : i32
    %get3A_291 = arith.index_cast %add3A_290 : i32 to index
    %get3A_292 = memref.load %arg1[%get3A_291] : memref<128xf32, #tpu.memory_space<smem>>
    %get3A_293 = arith.constant 19 : index
    %get3A_294 = arith.constant 0 : index
    %get3A_295 = arith.constant 0 : index
    %get3A_296 = vector.load %arg2[%get3A_293, %get3A_294, %get3A_295] : memref<32x256x128xbf16, #tpu.memory_space<vmem>>, vector<1x256x128xbf16>
    %get3A_297 = vector.shape_cast %get3A_296 : vector<1x256x128xbf16> to vector<256x128xbf16>
    %convert_element_type3A_298 = arith.extf %get3A_297 : vector<256x128xbf16> to vector<256x128xf32>
    %mul3A_299 = vector.broadcast %get3A_292 : f32 to vector<256x128xf32>
    %mul3A_300 = arith.mulf %mul3A_299, %convert_element_type3A_298 : vector<256x128xf32>
    %add3A_301 = arith.addf %add3A_286, %mul3A_300 : vector<256x128xf32>
    %mul3A_302 = arith.constant 32 : i32
    %mul3A_303 = arith.muli %arg0, %mul3A_302 : i32
    %add3A_304 = arith.constant 20 : i32
    %add3A_305 = arith.addi %mul3A_303, %add3A_304 : i32
    %get3A_306 = arith.index_cast %add3A_305 : i32 to index
    %get3A_307 = memref.load %arg1[%get3A_306] : memref<128xf32, #tpu.memory_space<smem>>
    %get3A_308 = arith.constant 20 : index
    %get3A_309 = arith.constant 0 : index
    %get3A_310 = arith.constant 0 : index
    %get3A_311 = vector.load %arg2[%get3A_308, %get3A_309, %get3A_310] : memref<32x256x128xbf16, #tpu.memory_space<vmem>>, vector<1x256x128xbf16>
    %get3A_312 = vector.shape_cast %get3A_311 : vector<1x256x128xbf16> to vector<256x128xbf16>
    %convert_element_type3A_313 = arith.extf %get3A_312 : vector<256x128xbf16> to vector<256x128xf32>
    %mul3A_314 = vector.broadcast %get3A_307 : f32 to vector<256x128xf32>
    %mul3A_315 = arith.mulf %mul3A_314, %convert_element_type3A_313 : vector<256x128xf32>
    %add3A_316 = arith.addf %add3A_301, %mul3A_315 : vector<256x128xf32>
    %mul3A_317 = arith.constant 32 : i32
    %mul3A_318 = arith.muli %arg0, %mul3A_317 : i32
    %add3A_319 = arith.constant 21 : i32
    %add3A_320 = arith.addi %mul3A_318, %add3A_319 : i32
    %get3A_321 = arith.index_cast %add3A_320 : i32 to index
    %get3A_322 = memref.load %arg1[%get3A_321] : memref<128xf32, #tpu.memory_space<smem>>
    %get3A_323 = arith.constant 21 : index
    %get3A_324 = arith.constant 0 : index
    %get3A_325 = arith.constant 0 : index
    %get3A_326 = vector.load %arg2[%get3A_323, %get3A_324, %get3A_325] : memref<32x256x128xbf16, #tpu.memory_space<vmem>>, vector<1x256x128xbf16>
    %get3A_327 = vector.shape_cast %get3A_326 : vector<1x256x128xbf16> to vector<256x128xbf16>
    %convert_element_type3A_328 = arith.extf %get3A_327 : vector<256x128xbf16> to vector<256x128xf32>
    %mul3A_329 = vector.broadcast %get3A_322 : f32 to vector<256x128xf32>
    %mul3A_330 = arith.mulf %mul3A_329, %convert_element_type3A_328 : vector<256x128xf32>
    %add3A_331 = arith.addf %add3A_316, %mul3A_330 : vector<256x128xf32>
    %mul3A_332 = arith.constant 32 : i32
    %mul3A_333 = arith.muli %arg0, %mul3A_332 : i32
    %add3A_334 = arith.constant 22 : i32
    %add3A_335 = arith.addi %mul3A_333, %add3A_334 : i32
    %get3A_336 = arith.index_cast %add3A_335 : i32 to index
    %get3A_337 = memref.load %arg1[%get3A_336] : memref<128xf32, #tpu.memory_space<smem>>
    %get3A_338 = arith.constant 22 : index
    %get3A_339 = arith.constant 0 : index
    %get3A_340 = arith.constant 0 : index
    %get3A_341 = vector.load %arg2[%get3A_338, %get3A_339, %get3A_340] : memref<32x256x128xbf16, #tpu.memory_space<vmem>>, vector<1x256x128xbf16>
    %get3A_342 = vector.shape_cast %get3A_341 : vector<1x256x128xbf16> to vector<256x128xbf16>
    %convert_element_type3A_343 = arith.extf %get3A_342 : vector<256x128xbf16> to vector<256x128xf32>
    %mul3A_344 = vector.broadcast %get3A_337 : f32 to vector<256x128xf32>
    %mul3A_345 = arith.mulf %mul3A_344, %convert_element_type3A_343 : vector<256x128xf32>
    %add3A_346 = arith.addf %add3A_331, %mul3A_345 : vector<256x128xf32>
    %mul3A_347 = arith.constant 32 : i32
    %mul3A_348 = arith.muli %arg0, %mul3A_347 : i32
    %add3A_349 = arith.constant 23 : i32
    %add3A_350 = arith.addi %mul3A_348, %add3A_349 : i32
    %get3A_351 = arith.index_cast %add3A_350 : i32 to index
    %get3A_352 = memref.load %arg1[%get3A_351] : memref<128xf32, #tpu.memory_space<smem>>
    %get3A_353 = arith.constant 23 : index
    %get3A_354 = arith.constant 0 : index
    %get3A_355 = arith.constant 0 : index
    %get3A_356 = vector.load %arg2[%get3A_353, %get3A_354, %get3A_355] : memref<32x256x128xbf16, #tpu.memory_space<vmem>>, vector<1x256x128xbf16>
    %get3A_357 = vector.shape_cast %get3A_356 : vector<1x256x128xbf16> to vector<256x128xbf16>
    %convert_element_type3A_358 = arith.extf %get3A_357 : vector<256x128xbf16> to vector<256x128xf32>
    %mul3A_359 = vector.broadcast %get3A_352 : f32 to vector<256x128xf32>
    %mul3A_360 = arith.mulf %mul3A_359, %convert_element_type3A_358 : vector<256x128xf32>
    %add3A_361 = arith.addf %add3A_346, %mul3A_360 : vector<256x128xf32>
    %mul3A_362 = arith.constant 32 : i32
    %mul3A_363 = arith.muli %arg0, %mul3A_362 : i32
    %add3A_364 = arith.constant 24 : i32
    %add3A_365 = arith.addi %mul3A_363, %add3A_364 : i32
    %get3A_366 = arith.index_cast %add3A_365 : i32 to index
    %get3A_367 = memref.load %arg1[%get3A_366] : memref<128xf32, #tpu.memory_space<smem>>
    %get3A_368 = arith.constant 24 : index
    %get3A_369 = arith.constant 0 : index
    %get3A_370 = arith.constant 0 : index
    %get3A_371 = vector.load %arg2[%get3A_368, %get3A_369, %get3A_370] : memref<32x256x128xbf16, #tpu.memory_space<vmem>>, vector<1x256x128xbf16>
    %get3A_372 = vector.shape_cast %get3A_371 : vector<1x256x128xbf16> to vector<256x128xbf16>
    %convert_element_type3A_373 = arith.extf %get3A_372 : vector<256x128xbf16> to vector<256x128xf32>
    %mul3A_374 = vector.broadcast %get3A_367 : f32 to vector<256x128xf32>
    %mul3A_375 = arith.mulf %mul3A_374, %convert_element_type3A_373 : vector<256x128xf32>
    %add3A_376 = arith.addf %add3A_361, %mul3A_375 : vector<256x128xf32>
    %mul3A_377 = arith.constant 32 : i32
    %mul3A_378 = arith.muli %arg0, %mul3A_377 : i32
    %add3A_379 = arith.constant 25 : i32
    %add3A_380 = arith.addi %mul3A_378, %add3A_379 : i32
    %get3A_381 = arith.index_cast %add3A_380 : i32 to index
    %get3A_382 = memref.load %arg1[%get3A_381] : memref<128xf32, #tpu.memory_space<smem>>
    %get3A_383 = arith.constant 25 : index
    %get3A_384 = arith.constant 0 : index
    %get3A_385 = arith.constant 0 : index
    %get3A_386 = vector.load %arg2[%get3A_383, %get3A_384, %get3A_385] : memref<32x256x128xbf16, #tpu.memory_space<vmem>>, vector<1x256x128xbf16>
    %get3A_387 = vector.shape_cast %get3A_386 : vector<1x256x128xbf16> to vector<256x128xbf16>
    %convert_element_type3A_388 = arith.extf %get3A_387 : vector<256x128xbf16> to vector<256x128xf32>
    %mul3A_389 = vector.broadcast %get3A_382 : f32 to vector<256x128xf32>
    %mul3A_390 = arith.mulf %mul3A_389, %convert_element_type3A_388 : vector<256x128xf32>
    %add3A_391 = arith.addf %add3A_376, %mul3A_390 : vector<256x128xf32>
    %mul3A_392 = arith.constant 32 : i32
    %mul3A_393 = arith.muli %arg0, %mul3A_392 : i32
    %add3A_394 = arith.constant 26 : i32
    %add3A_395 = arith.addi %mul3A_393, %add3A_394 : i32
    %get3A_396 = arith.index_cast %add3A_395 : i32 to index
    %get3A_397 = memref.load %arg1[%get3A_396] : memref<128xf32, #tpu.memory_space<smem>>
    %get3A_398 = arith.constant 26 : index
    %get3A_399 = arith.constant 0 : index
    %get3A_400 = arith.constant 0 : index
    %get3A_401 = vector.load %arg2[%get3A_398, %get3A_399, %get3A_400] : memref<32x256x128xbf16, #tpu.memory_space<vmem>>, vector<1x256x128xbf16>
    %get3A_402 = vector.shape_cast %get3A_401 : vector<1x256x128xbf16> to vector<256x128xbf16>
    %convert_element_type3A_403 = arith.extf %get3A_402 : vector<256x128xbf16> to vector<256x128xf32>
    %mul3A_404 = vector.broadcast %get3A_397 : f32 to vector<256x128xf32>
    %mul3A_405 = arith.mulf %mul3A_404, %convert_element_type3A_403 : vector<256x128xf32>
    %add3A_406 = arith.addf %add3A_391, %mul3A_405 : vector<256x128xf32>
    %mul3A_407 = arith.constant 32 : i32
    %mul3A_408 = arith.muli %arg0, %mul3A_407 : i32
    %add3A_409 = arith.constant 27 : i32
    %add3A_410 = arith.addi %mul3A_408, %add3A_409 : i32
    %get3A_411 = arith.index_cast %add3A_410 : i32 to index
    %get3A_412 = memref.load %arg1[%get3A_411] : memref<128xf32, #tpu.memory_space<smem>>
    %get3A_413 = arith.constant 27 : index
    %get3A_414 = arith.constant 0 : index
    %get3A_415 = arith.constant 0 : index
    %get3A_416 = vector.load %arg2[%get3A_413, %get3A_414, %get3A_415] : memref<32x256x128xbf16, #tpu.memory_space<vmem>>, vector<1x256x128xbf16>
    %get3A_417 = vector.shape_cast %get3A_416 : vector<1x256x128xbf16> to vector<256x128xbf16>
    %convert_element_type3A_418 = arith.extf %get3A_417 : vector<256x128xbf16> to vector<256x128xf32>
    %mul3A_419 = vector.broadcast %get3A_412 : f32 to vector<256x128xf32>
    %mul3A_420 = arith.mulf %mul3A_419, %convert_element_type3A_418 : vector<256x128xf32>
    %add3A_421 = arith.addf %add3A_406, %mul3A_420 : vector<256x128xf32>
    %mul3A_422 = arith.constant 32 : i32
    %mul3A_423 = arith.muli %arg0, %mul3A_422 : i32
    %add3A_424 = arith.constant 28 : i32
    %add3A_425 = arith.addi %mul3A_423, %add3A_424 : i32
    %get3A_426 = arith.index_cast %add3A_425 : i32 to index
    %get3A_427 = memref.load %arg1[%get3A_426] : memref<128xf32, #tpu.memory_space<smem>>
    %get3A_428 = arith.constant 28 : index
    %get3A_429 = arith.constant 0 : index
    %get3A_430 = arith.constant 0 : index
    %get3A_431 = vector.load %arg2[%get3A_428, %get3A_429, %get3A_430] : memref<32x256x128xbf16, #tpu.memory_space<vmem>>, vector<1x256x128xbf16>
    %get3A_432 = vector.shape_cast %get3A_431 : vector<1x256x128xbf16> to vector<256x128xbf16>
    %convert_element_type3A_433 = arith.extf %get3A_432 : vector<256x128xbf16> to vector<256x128xf32>
    %mul3A_434 = vector.broadcast %get3A_427 : f32 to vector<256x128xf32>
    %mul3A_435 = arith.mulf %mul3A_434, %convert_element_type3A_433 : vector<256x128xf32>
    %add3A_436 = arith.addf %add3A_421, %mul3A_435 : vector<256x128xf32>
    %mul3A_437 = arith.constant 32 : i32
    %mul3A_438 = arith.muli %arg0, %mul3A_437 : i32
    %add3A_439 = arith.constant 29 : i32
    %add3A_440 = arith.addi %mul3A_438, %add3A_439 : i32
    %get3A_441 = arith.index_cast %add3A_440 : i32 to index
    %get3A_442 = memref.load %arg1[%get3A_441] : memref<128xf32, #tpu.memory_space<smem>>
    %get3A_443 = arith.constant 29 : index
    %get3A_444 = arith.constant 0 : index
    %get3A_445 = arith.constant 0 : index
    %get3A_446 = vector.load %arg2[%get3A_443, %get3A_444, %get3A_445] : memref<32x256x128xbf16, #tpu.memory_space<vmem>>, vector<1x256x128xbf16>
    %get3A_447 = vector.shape_cast %get3A_446 : vector<1x256x128xbf16> to vector<256x128xbf16>
    %convert_element_type3A_448 = arith.extf %get3A_447 : vector<256x128xbf16> to vector<256x128xf32>
    %mul3A_449 = vector.broadcast %get3A_442 : f32 to vector<256x128xf32>
    %mul3A_450 = arith.mulf %mul3A_449, %convert_element_type3A_448 : vector<256x128xf32>
    %add3A_451 = arith.addf %add3A_436, %mul3A_450 : vector<256x128xf32>
    %mul3A_452 = arith.constant 32 : i32
    %mul3A_453 = arith.muli %arg0, %mul3A_452 : i32
    %add3A_454 = arith.constant 30 : i32
    %add3A_455 = arith.addi %mul3A_453, %add3A_454 : i32
    %get3A_456 = arith.index_cast %add3A_455 : i32 to index
    %get3A_457 = memref.load %arg1[%get3A_456] : memref<128xf32, #tpu.memory_space<smem>>
    %get3A_458 = arith.constant 30 : index
    %get3A_459 = arith.constant 0 : index
    %get3A_460 = arith.constant 0 : index
    %get3A_461 = vector.load %arg2[%get3A_458, %get3A_459, %get3A_460] : memref<32x256x128xbf16, #tpu.memory_space<vmem>>, vector<1x256x128xbf16>
    %get3A_462 = vector.shape_cast %get3A_461 : vector<1x256x128xbf16> to vector<256x128xbf16>
    %convert_element_type3A_463 = arith.extf %get3A_462 : vector<256x128xbf16> to vector<256x128xf32>
    %mul3A_464 = vector.broadcast %get3A_457 : f32 to vector<256x128xf32>
    %mul3A_465 = arith.mulf %mul3A_464, %convert_element_type3A_463 : vector<256x128xf32>
    %add3A_466 = arith.addf %add3A_451, %mul3A_465 : vector<256x128xf32>
    %mul3A_467 = arith.constant 32 : i32
    %mul3A_468 = arith.muli %arg0, %mul3A_467 : i32
    %add3A_469 = arith.constant 31 : i32
    %add3A_470 = arith.addi %mul3A_468, %add3A_469 : i32
    %get3A_471 = arith.index_cast %add3A_470 : i32 to index
    %get3A_472 = memref.load %arg1[%get3A_471] : memref<128xf32, #tpu.memory_space<smem>>
    %get3A_473 = arith.constant 31 : index
    %get3A_474 = arith.constant 0 : index
    %get3A_475 = arith.constant 0 : index
    %get3A_476 = vector.load %arg2[%get3A_473, %get3A_474, %get3A_475] : memref<32x256x128xbf16, #tpu.memory_space<vmem>>, vector<1x256x128xbf16>
    %get3A_477 = vector.shape_cast %get3A_476 : vector<1x256x128xbf16> to vector<256x128xbf16>
    %convert_element_type3A_478 = arith.extf %get3A_477 : vector<256x128xbf16> to vector<256x128xf32>
    %mul3A_479 = vector.broadcast %get3A_472 : f32 to vector<256x128xf32>
    %mul3A_480 = arith.mulf %mul3A_479, %convert_element_type3A_478 : vector<256x128xf32>
    %add3A_481 = arith.addf %add3A_466, %mul3A_480 : vector<256x128xf32>
    %swap3A = arith.constant 0 : index
    %swap3A_482 = arith.constant 0 : index
    %swap3A_483 = vector.load %arg3[%swap3A, %swap3A_482] : memref<256x128xf32, #tpu.memory_space<vmem>>, vector<256x128xf32>
    tpu.vector_store %arg3[%swap3A, %swap3A_482], %add3A_481 {strides = array<i32>} : memref<256x128xf32, #tpu.memory_space<vmem>>, vector<256x128xf32>,
    return
  }
  func.func @transform_0(%arg0: i32) -> i32 {
    %c0_i32 = arith.constant 0 : i32
    %c0_i32_0 = arith.constant 0 : i32
    return %c0_i32 : i32
  }
  func.func @transform_1(%arg0: i32) -> (i32, i32, i32) {
    %c0_i32 = arith.constant 0 : i32
    %c0_i32_0 = arith.constant 0 : i32
    %c0_i32_1 = arith.constant 0 : i32
    return %arg0, %c0_i32, %c0_i32_0 : i32, i32, i32
  }
  func.func @transform_2(%arg0: i32) -> (i32, i32) {
    %c0_i32 = arith.constant 0 : i32
    %c0_i32_0 = arith.constant 0 : i32
    %c0_i32_1 = arith.constant 0 : i32
    return %c0_i32, %c0_i32_0 : i32, i32
  }
}

</mosaic_0001>

<sc_bundles>
// kernel: kernel.5.cloned.1.call-start
scs
__scs_entry_jumppad:
0x0: {  	(pc) =	sbr.rel $0x88, $3  }
0x1: {  	(tag) =	ssettag $0x0;
	lr =	simm.s32 $0x1  }
0x2: {  	[smem:$0x3F9C] =	sst lr;
	_ =	strace $0xD0000000  }
0x3: {  	_ = 	snop  }
0x4: {  	_ = 	snop  }
0x5: {  	_ = 	snop  }
0x6: {  	_ = 	snop  }
0x7: {  	_ = 	snop  }
__scs_overlays_trampoline_lowered:
0x8: {  	[smem:$0x3FAB] =	sst s0  }
0x9: {  	[smem:$0x3FAC] =	sst s1  }
0xa: {  	[smem:$0x3FAD] =	sst s2  }
0xb: {  	[smem:$0x3FAE] =	sst s3  }
0xc: {  	[smem:$0x3FAF] =	sst s4  }
0xd: {  	[smem:$0x3FB0] =	sst s5  }
0xe: {  	[smem:$0x3FB1] =	sst s6  }
0xf: {  	[smem:$0x3FB2] =	sst s7  }
0x10: {  	[smem:$0x3FB3] =	sst s8  }
0x11: {  	[smem:$0x3FB4] =	sst s9;
	s0 =	simm.s32 @!p0 $0x0  }
0x12: {  	s1 =	sld [smem:$0x3F9A];
	s0 =	simm.s32 @p0 $0x1  }
0x13: {  	[smem:$0x3FB5] =	sst s0;
	s0 =	simm.s32 @!p1 $0x0  }
0x14: {  	s2 =	sld [smem:$0x3F99];
	s0 =	simm.s32 @p1 $0x1  }
0x15: {  	[smem:$0x3FB6] =	sst s0;
	s0 =	simm.s32 @!p2 $0x0  }
0x16: {  	s3 =	sld [smem:$0x3FDB];
	s0 =	simm.s32 @p2 $0x1  }
0x17: {  	s4 =	simm.s32 $0x1BF5;
	[smem:$0x3FB8] =	sst s0  }
0x18: {  	s0 =	sld [smem:$0x3F9B];
	_ =	swait.ge [sflag:s4], $0x0  }
0x19: {  	s7 =	sld [smem:$0x3F9C]  }
0x1a: {  	s8 =	sadd.s32 $0xFFFFE003, lr  }
0x1b: {  	s9 =	sadd.s32 $0xFFFFFEF7, lr;
	s5 =	simm.s32 $0xFFFFFFFF;
	p2 =	slt.u32 s8, $0xFFFFF086  }
0x1c: {  	p1 =	slt.u32 s9, $0xF7A;
	s5 =	simm.s32 @!p2 $0x0  }
0x1d: {  	s5 =	simm.s32 @p1 $0x1;
	p0 =	seq.s32 s7, s2  }
0x1e: {  	s7 =	smul.u32 @!p0 $0xF7A, s2;
	p2 =	seq.s32 @!p0 s5, $0x0  }
0x1f: {  	s9 =	smul.u32 $0xF7A, s1;
	s8 =	simm.s32 @!p0 $0x1BF5;
	p2 =	por !p2, p0  }
0x20: {  	[sflag:s8] =	ssyncset.s32 @!p0 $0xFFFFF086;
	s6 =	sadd.s32 @!p0 s3, s7;
	s7 =	simm.s32 @!p0 $0x108  }
0x21: {  	s3 =	sadd.s32 s3, s9;
	s6 =	sadd.s32 @!p0 $0x88, s6;
	s7 =	simm.s32 @p2 $0x1082  }
0x22: {  	[simem:s7], [sflag:s8] =	dma.local @!p0 [hbm:s6], $0xF7A  }
0x23: {  	s9 =	sor.u32 $0xD0000000, s2;
	s6 =	simm.s32 $0x108;
	_ =	swait.ge @!p0 [sflag:s8], $0x0  }
0x24: {  	s3 =	sadd.s32 $0x88, s3;
	s6 =	simm.s32 @!p1 $0x1082;
	[sflag:s4] =	ssyncset.s32 $0xFFFFF086  }
0x25: {  	[simem:s6], [sflag:s4] =	dma.local [hbm:s3], $0xF7A  }
0x26: {  	[smem:$0x3F9C] =	sst s1;
	(tag) =	ssettag s2;
	_ =	strace s9  }
0x27: {  	s1 =	sld [smem:$0x3FAC]  }
0x28: {  	s2 =	sld [smem:$0x3FAD]  }
0x29: {  	s4 =	sld [smem:$0x3FAF]  }
0x2a: {  	p0 =	seq.s32 s5, $0x0;
	s5 =	sld [smem:$0x3FB0]  }
0x2b: {  	s6 =	sld [smem:$0x3FB1]  }
0x2c: {  	s7 =	sld [smem:$0x3FB2]  }
0x2d: {  	s3 =	simm.s32 $0x108;
	s8 =	sld [smem:$0x3FB3]  }
0x2e: {  	s3 =	simm.s32 @!p0 $0x1082;
	s9 =	sld [smem:$0x3FB4]  }
0x2f: {  	lr =	sadd.s32 s0, s3;
	s0 =	sld [smem:$0x3FAB]  }
0x30: {  	s3 =	sld [smem:$0x3FAE]  }
0x31: {  	[smem:$0x3FB7] =	sst s10  }
0x32: {  	s10 =	sld [smem:$0x3FB5];
	_ =	sdelay $0x3  }
0x33: {  	p0 =	seq.s32 s10, $0x1;
	s10 =	sld [smem:$0x3FB7];
	_ =	sdelay $0x3  }
0x34: {  	[smem:$0x3FB7] =	sst s10  }
0x35: {  	s10 =	sld [smem:$0x3FB6];
	_ =	sdelay $0x3  }
0x36: {  	p1 =	seq.s32 s10, $0x1;
	s10 =	sld [smem:$0x3FB7];
	_ =	sdelay $0x3  }
0x37: {  	[smem:$0x3FB7] =	sst s10  }
0x38: {  	s10 =	sld [smem:$0x3FB8]  }
0x39: {  	_ = 	snop;
	(pc) =	sbr.ind lr, $3  }
0x3a: {  	_ = 	snop  }
0x3b: {  	_ = 	snop  }
0x3c: {  	p2 =	seq.s32 s10, $0x1;
	s10 =	sld [smem:$0x3FB7]  }
0x3d: {  	_ =	shalt  }
0x3e: {  	_ =	shalt  }
0x3f: {  	_ =	shalt  }
0x40: {  	_ =	shalt  }
0x41: {  	_ =	shalt  }
0x42: {  	_ =	shalt  }
0x43: {  	_ =	shalt  }
0x44: {  	_ =	shalt  }
0x45: {  	_ =	shalt  }
0x46: {  	_ =	shalt  }
0x47: {  	_ =	shalt  }
0x48: {  	_ =	shalt  }
0x49: {  	_ =	shalt  }
0x4a: {  	_ =	shalt  }
0x4b: {  	_ =	shalt  }
0x4c: {  	_ =	shalt  }
0x4d: {  	_ =	shalt  }
0x4e: {  	_ =	shalt  }
0x4f: {  	_ =	shalt  }
0x50: {  	_ =	shalt  }
0x51: {  	_ =	shalt  }
0x52: {  	_ =	shalt  }
0x53: {  	_ =	shalt  }
0x54: {  	_ =	shalt  }
0x55: {  	_ =	shalt  }
0x56: {  	_ =	shalt  }
0x57: {  	_ =	shalt  }
0x58: {  	_ =	shalt  }
0x59: {  	_ =	shalt  }
0x5a: {  	_ =	shalt  }
0x5b: {  	_ =	shalt  }
0x5c: {  	_ =	shalt  }
0x5d: {  	_ =	shalt  }
0x5e: {  	_ =	shalt  }
0x5f: {  	_ =	shalt  }
0x60: {  	_ =	shalt  }
0x61: {  	_ =	shalt  }
0x62: {  	_ =	shalt  }
0x63: {  	_ =	shalt  }
0x64: {  	_ =	shalt  }
0x65: {  	_ =	shalt  }
0x66: {  	_ =	shalt  }
0x67: {  	_ =	shalt  }
0x68: {  	_ =	shalt  }
0x69: {  	_ =	shalt  }
0x6a: {  	_ =	shalt  }
0x6b: {  	_ =	shalt  }
0x6c: {  	_ =	shalt  }
0x6d: {  	_ =	shalt  }
0x6e: {  	_ =	shalt  }
0x6f: {  	_ =	shalt  }
0x70: {  	_ =	shalt  }
0x71: {  	_ =	shalt  }
0x72: {  	_ =	shalt  }
0x73: {  	_ =	shalt  }
0x74: {  	_ =	shalt  }
0x75: {  	_ =	shalt  }
0x76: {  	_ =	shalt  }
0x77: {  	_ =	shalt  }
0x78: {  	_ =	shalt  }
0x79: {  	_ =	shalt  }
0x7a: {  	_ =	shalt  }
0x7b: {  	_ =	shalt  }
0x7c: {  	_ =	shalt  }
0x7d: {  	_ =	shalt  }
0x7e: {  	_ =	shalt  }
0x7f: {  	_ =	shalt  }
0x80: {  	_ =	shalt  }
0x81: {  	_ =	shalt  }
0x82: {  	_ =	shalt  }
0x83: {  	_ =	shalt  }
0x84: {  	_ =	shalt  }
0x85: {  	_ =	shalt  }
0x86: {  	_ =	shalt  }
0x87: {  	_ =	shalt  }
.Lfunc_end0:
.L_simem_size_0:
called_computation_lowered:
.L_overlay_start_0:
0x88: {  	s0 =	sld [smem:$0x3FD9]  }
0x89: {  	s1 =	sld [smem:$0x3FFE];
	_ =	sdelay $0x3  }
0x8a: {  	s0 =	sadd.s32 s1, s0  }
0x8b: {  	[smem:$0x3FC3] =	sst s0  }
0x8c: {  	_ = 	snop  }
0x8d: {  	s0 =	sld [smem:$0x3FC6]  }
0x8e: {  	s17 =	sld [smem:$0x3FC5]  }
0x8f: {  	s2 =	sld [smem:$0x3FD0];
	(tm) =	ssettm $0x1  }
0x90: {  	s3 =	sld [smem:$0x3FFB];
	_ =	sdelay $0x3  }
0x91: {  	_ =	strace s3  }
0x92: {  	s3 =	sld [smem:$0x3FFC];
	_ =	sdelay $0x3  }
0x93: {  	_ =	strace s3  }
0x94: {  	s3 =	sld [smem:$0x3FFD];
	_ =	sdelay $0x3  }
0x95: {  	_ =	strace s3  }
0x96: {  	_ =	strace $0x8FFFFFFF  }
0x97: {  	s18 =	sld [smem:$0x3FDB];
	_ =	sdelay $0x1  }
0x98: {  	s4 =	simm.s32 $_scs_section_size  }
0x99: {  	s5 =	simm.s32 $_size__tile_overlayer_lowered;
	s6 =	simm.s32 $_tile_overlayer_lowered  }
0x9a: {  	s21 =	simm.s32 $0x1BFF;
	s20 =	sshll.u32 s6, $0x1;
	s3 =	sadd.s32 s4, s18  }
0x9b: {  	s7 =	simm.s32 $0x0;
	s19 =	sshll.u32 s5, $0x1;
	s5 =	sadd.s32 s20, s3  }
0x9c: {  	[timem:s7], [sflag:s21] =	dma.local [hbm:s5], s19  }
0x9d: {  	_ =	swait.ge [sflag:s21], s19  }
0x9e: {  	s4 =	ssub.s32 $0x0, s19;
	[sflag:s21] =	ssyncset.done $0x0  }
0x9f: {  	[sflag:s21] =	ssyncadd.s32 s4;
	_ =	sdelay $0x1  }
0xa0: {  	s22 =	simm.s32 $0x1B8B  }
0xa1: {  	_ =	swait.ge [sflag:s22], $0x1  }
0xa2: {  	[sflag:s22] =	ssyncset.done $0x0  }
0xa3: {  	s23 =	simm.s32 $0x1B8E;
	[sflag:s22] =	ssyncadd.s32 $0xFFFFFFFF  }
0xa4: {  	s24 =	simm.s32 $execute0_lowered;
	[smem:$0x3FD2] =	sst s23  }
0xa5: {  	s4 =	sshll.u32 s24, $0x1;
	_ =	strace $0x80000046;
	[dreg:$0x1] =	wrdreg $0xFFFFFFFF  }
0xa6: {  	s25 =	simm.s32 $_size_execute0_lowered;
	s3 =	sadd.s32 s3, s4;
	[dreg:$0x0] =	wrdreg $0x0  }
0xa7: {  	s4 =	sshll.u32 s25, $0x1;
	[dreg:$0x2] =	wrdreg s3  }
0xa8: {  	[dreg:$0x3] =	wrdreg s4  }
0xa9: {  	[dreg:$0x4] =	wrdreg $0xC0  }
0xaa: {  	_ =	task [dreg:s7], $0x5FFFF  }
0xab: {  	[dreg:$0x1] =	wrdreg $0xFFFFFFFF  }
0xac: {  	[dreg:$0x0] =	wrdreg $0x60  }
0xad: {  	[dreg:$0x2] =	wrdreg s0  }
0xae: {  	[dreg:$0x3] =	wrdreg s17  }
0xaf: {  	[dreg:$0x4] =	wrdreg s2  }
0xb0: {  	[dreg:$0x5] =	wrdreg $0x9  }
0xb1: {  	_ =	task.clear_ibuf [dreg:s7], $0x6FFFF;
	_ =	strace $0x90000046  }
0xb2: {  	s26 =	simm.s32 $0x9;
	_ =	strace $0x80000048  }
0xb3: {  	_ =	swait.ge [sflag:s26], $0x1  }
0xb4: {  	[sflag:s26] =	ssyncadd.s32 $0xFFFFFFFF  }
0xb5: {  	_ =	strace $0x90000048  }
0xb6: {  	_ =	sfence  }
0xb7: {  	s28 =	sld [smem:$0x0];
	_ =	sdelay $0x1  }
0xb8: {  	s29 =	srdreg.scid  }
0xb9: {  	s30 =	sshll.u32 s29, $0xD;
	s31 =	sshrl.u32 s29, $0x2  }
0xba: {  	s1 =	sand.u32 $0x1, s29;
	s2 =	sand.u32 $0x4000, s30;
	s0 =	sadd.s32 s31, s28  }
0xbb: {  	s1 =	sor.u32 s2, s1;
	s0 =	sshll.u32 s0, $0x11  }
0xbc: {  	s0 =	sor.u32 s0, s1  }
0xbd: {  	s0 =	sadd.s32 $0x8F2B, s0  }
0xbe: {  	[sflag:s0] =	ssyncadd.remote.s32 $0x1  }
0xbf: {  	_ =	sfence.sel $0xFFFF  }
0xc0: {  	[dreg:$0x0] =	wrdreg $0xFFFFFFFF;
	(pc) =	sbr.abs _section_cstart, $3  }
0xc1: {  	[dreg:$0x1] =	wrdreg $0xFFFFFFFF  }
0xc2: {  	_ =	task.clear_ibuf [dreg:s7], $0x2FFFF;
	_ =	strace $0x9FFFFFFF  }
0xc3: {  	(tm) =	ssettm $0x7FFFFFFF  }
tec
execute0_lowered:
.L_overlay_start_1:
0x0: {  	(tag) =	ssettag $0x1  }
0x1: {  	s4 =	rddreg [dreg:$0x0]  }
0x2: {  	s3 =	rddreg [dreg:$0x1]  }
0x3: {  	s1 =	rddreg [dreg:$0x2];
	s2 =	simm.s32 $0x0  }
0x4: {  	s5 =	stileid.u32;
	[smem:$0x7FF] =	sst s2  }
0x5: {  	s0 =	rddreg [dreg:$0x3];
	p0 =	sne.s32 s5, $0x0;
	_ =	strace $0x80000047  }
0x6: {  	_ =	sfence.sel @p0 $0x180000  }
0x7: {  	[bflag:$0x0] =	sbarrier.arrive @p0 $0xFFFF  }
0x8: {  	_ =	strace @p0 $0x90000047  }
0x9: {  	[bflag:$0x2] =	sbarrier.arrive @p0 $0xFFFF  }
0xa: {  	_ =	shalt @p0  }
.LBB2_1:
0xb: {  	s5 =	simm.s32 $0x80;
	s6 =	simm.s32 $0x100  }
0xc: {  	[tilespmem:s2], [sflag:$0x1] =	stream.strided.gather [hbm4b:s4+s5], $0x800, s6, s5, $0x38;
	[tilespmem:$0x1880] =	vst v63  }
0xd: {  	s29 =	sadd.s32 $0x10, s4;
	s7 =	simm.s32 $0x800  }
0xe: {  	[tilespmem:s7], [sflag:$0x1] =	stream.strided.gather [hbm4b:s29+s5], $0x800, s6, s5, $0x38;
	[tilespmem:$0x1880] =	vst v63  }
0xf: {  	s30 =	simm.s32 $0x1000;
	s31 =	simm.s32 $0x1  }
0x10: {  	[tilespmem:s30], [sflag:$0x1] =	stream.linear.gather [hbm4b:s3+s2], $0x800, $0x38;
	[tilespmem:$0x1880] =	vst v63  }
0x11: {  	_ =	swait.ge [sflag:s31], $0x800  }
0x12: {  	[sflag:s31] =	ssyncset.done $0x0  }
0x13: {  	[sflag:s31] =	ssyncadd.s32 $0xFFFFF800  }
0x14: {  	_ =	swait.ge [sflag:s31], $0x800  }
0x15: {  	[sflag:s31] =	ssyncset.done $0x0  }
0x16: {  	[sflag:s31] =	ssyncadd.s32 $0xFFFFF800  }
0x17: {  	_ =	swait.ge [sflag:s31], $0x800  }
0x18: {  	[sflag:s31] =	ssyncset.done $0x0  }
0x19: {  	v0 =	vimm.f32 $7.812500000e-03;
	[sflag:s31] =	ssyncadd.s32 $0xFFFFF800  }
0x1a: {  	[tilespmem:$0x1800] =	vst v0  }
0x1b: {  	[tilespmem:$0x1810] =	vst v0  }
0x1c: {  	[tilespmem:$0x1820] =	vst v0  }
0x1d: {  	[tilespmem:$0x1830] =	vst v0  }
0x1e: {  	[tilespmem:$0x1840] =	vst v0  }
0x1f: {  	[tilespmem:$0x1850] =	vst v0  }
0x20: {  	[tilespmem:$0x1860] =	vst v0  }
0x21: {  	s3 =	simm.s32 $0x1800;
	[tilespmem:$0x1870] =	vst v0  }
.LBB2_2:
0x22: {  	s4 =	sshll.u32 s2, $0x4  }
0x23: {  	s5 =	ssub.s32 $0xFF0, s4  }
0x24: {  	v1 =	vld [tilespmem:s5+$0x0];
	_ =	sdelay $0x2  }
0x25: {  	s29 =	simm.s32 $0xF  }
0x26: {  	v3 =	vmov s29  }
0x27: {  	v4 =	vperm.xlane v1, v3  }
0x28: {  	s30 =	ssub.s32 $0x7F0, s4  }
0x29: {  	v0 =	vld [tilespmem:s30+$0x0]  }
0x2a: {  	s4 =	ssub.s32 $0x17F0, s4  }
0x2b: {  	v2 =	vld [tilespmem:s4+$0x0];
	_ =	sdelay $0x1  }
0x2c: {  	s31 =	simm.s32 $0xE;
	v4 =	vld.idx.msk [tilespmem:v4+s3+$0x0], $0xffff  }
0x2d: {  	v5 =	vmov s31;
	s4 =	simm.s32 $0xD;
	v6 =	vperm.xlane v0, v3  }
.LBB2_3:
0x2e: {  	p0 =	sne.s32 s4, $0x0;
	v7 =	vperm.xlane v1, v5  }
0x2f: {  	v8 =	vperm.xlane v2, v3;
	v3 =	vmov v5;
	_ =	sdelay $0x1  }
0x30: {  	v4 =	vmul.f32 v4, v8  }
.Ltmp0:
0x31: {  	(pc) =	sbr.rel @p0 .LBB2_3-.Ltmp0, $3  }
0x32: {  	[tilespmem:v6+s3+$0x0] =	vst.idx.add.f32.msk $0x1, v4  }
0x33: {  	v4 =	vld.idx.msk [tilespmem:v7+s3+$0x0], $0xffff;
	_ =	sdelay $0x1  }
0x34: {  	v5 =	vmov s4;
	s4 =	sadd.s32 $0xFFFFFFFF, s4;
	v6 =	vperm.xlane v0, v3  }
0x35: {  	v1 =	vperm.xlane v1, v5  }
0x36: {  	v3 =	vperm.xlane v2, v3;
	_ =	sdelay $0x1  }
0x37: {  	v3 =	vmul.f32 v4, v3;
	_ =	sdelay $0x1  }
0x38: {  	[tilespmem:v6+s3+$0x0] =	vst.idx.add.f32.msk $0x1, v3  }
0x39: {  	v1 =	vld.idx.msk [tilespmem:v1+s3+$0x0], $0xffff  }
0x3a: {  	v0 =	vperm.xlane v0, v5;
	_ =	sdelay $0x1  }
0x3b: {  	v63 =	vperm.xlane v2, v5;
	_ =	sdelay $0x1  }
0x3c: {  	s2 =	sadd.s32 $0x1, s2;
	v1 =	vmul.f32 v1, v63  }
0x3d: {  	p0 =	sne.s32 s2, $0x80  }
0x3e: {  	s2 =	simm.s32 @!p0 $0x0;
	[tilespmem:v0+s3+$0x0] =	vst.idx.add.f32.msk $0x1, v1;
	s3 =	simm.s32 @!p0 $0x1800  }
0x3f: {  	[hbm4b:s1+s2] =	stream.linear.scatter @!p0 [tilespmem:s3], [sflag:$0x2], $0x80, $0x38;
	[tilespmem:$0x1880] =	vst v63  }
0x40: {  	s1 =	simm.s32 @!p0 $0x2  }
0x41: {  	_ =	swait.ge @!p0 [sflag:s1], $0x80  }
0x42: {  	[sflag:s1] =	ssyncset.done @!p0 $0x0  }
0x43: {  	[sflag:s1] =	ssyncadd.s32 @!p0 $0xFFFFFF80  }
0x44: {  	_ =	sfence.sel @!p0 $0x180000  }
0x45: {  	[bflag:$0x0] =	sbarrier.arrive @!p0 $0xFFFF  }
0x46: {  	_ =	strace @!p0 $0x90000047  }
0x47: {  	s0 =	sadd.s32 @!p0 $0x100000, s0;
	[bflag:$0x2] =	sbarrier.arrive @!p0 $0xFFFF  }
0x48: {  	[sflag:s0] =	ssyncadd.tile.s32 @!p0 $0x1;
	_ =	shalt @!p0  }
.Ltmp1:
0x49: {  	_ = 	snop;
	(pc) =	sbr.rel .LBB2_2-.Ltmp1, $4  }
0x4a: {  	_ = 	snop  }
0x4b: {  	_ = 	snop  }
0x4c: {  	_ = 	snop  }
0x4d: {  	_ = 	snop  }
.Lfunc_end2:
_tile_overlayer_lowered:
.L_overlay_start_2:
0x4e: {  	(tag) =	ssettag $0x2  }
0x4f: {  	s0 =	rddreg [dreg:$0x0];
	s2 =	stileid.u32  }
0x50: {  	s1 =	rddreg [dreg:$0x1];
	p0 =	sne.s32 s2, $0x0  }
0x51: {  	s3 =	rddreg [dreg:$0x2];
	[bflag:$0x3] =	sbarrier.arrive $0xFFFF;
	s2 =	simm.s32 @!p0 $0x1C02  }
0x52: {  	[timem:s3], [sflag:s2] =	dma.local @!p0 [hbm:s0], s1  }
0x53: {  	s0 =	simm.s32 @!p0 $0x2  }
0x54: {  	_ =	swait.ge @!p0 [sflag:s0], s1  }
0x55: {  	s1 =	ssub.s32 @!p0 $0x0, s1;
	[sflag:s0] =	ssyncset.done @!p0 $0x0  }
0x56: {  	[sflag:s0] =	ssyncadd.s32 @!p0 s1  }
0x57: {  	[bflag:$0x3] =	sbarrier.arrive $0xFFFF  }
0x58: {  	_ =	shalt  }

</sc_bundles>
